<compile_context>
chip_gen: v7x
topology: tpu7x:2x2x1
jax: 0.10.2.dev20260603
libtpu: 0.0.44.dev20260713+nightly
codegen_flags: <defaults>
</compile_context>

<pallas_src>
import functools

import jax
import jax.numpy as jnp
from jax import lax
from jax.experimental import pallas as pl
from jax.experimental.pallas import tpu as pltpu
from jax.experimental.pallas import tpu_sc as plsc

_N = 4096
_ALPHA = 4.0


_R = 2560
_B = 512


_L = 16
_NC = 2
_NS = 16
_NW = _NC * _NS
_NG = _N // _L
_G0 = _R // _L
_GPW = (_NG - _G0) // _NW

_mesh = plsc.VectorSubcoreMesh(core_axis_name="c", subcore_axis_name="s")

_GATHER_DNUMS = lax.GatherDimensionNumbers(
    offset_dims=(), collapsed_slice_dims=(0,), start_index_map=(0,))


def _bcast_lane(vec, k):
    kidx = jnp.full((_L,), k, jnp.int32)
    return lax.gather(vec, kidx[:, None], _GATHER_DNUMS, slice_sizes=(1,),
                      mode=lax.GatherScatterMode.PROMISE_IN_BOUNDS)


def _tc_band(pc_ref, tc_ref, pr_ref, tr_ref, out_ref, vs_ref, vc_ref, sm_ref):
    ib = pl.program_id(0)
    jb = pl.program_id(1)

    @pl.when(jnp.logical_and(ib == 0, jb == 0))
    def _init():
        zrow = jnp.zeros((1, _B), jnp.float32)
        vs_ref[...] = zrow
        vc_ref[...] = zrow
        sm_ref[0] = 0.0

    @pl.when(jb > ib)
    def _full_block():
        pi = pc_ref[...]
        ti = tc_ref[...]
        pj = pr_ref[...]
        tj = tr_ref[...]
        dt = ti - tj
        s = jnp.sign(dt)
        m = s * s
        cc = jnp.maximum(m - (pi - pj) * s, 0.0)
        vs_ref[...] += jnp.sum(cc, axis=0, keepdims=True)
        vc_ref[...] += jnp.sum(m, axis=0, keepdims=True)

    @pl.when(jb == ib)
    def _diag_block():
        pi = pc_ref[...]
        ti = tc_ref[...]
        pj = pr_ref[...]
        tj = tr_ref[...]
        row_id = lax.broadcasted_iota(jnp.int32, (_B, 1), 0)
        col_id = lax.broadcasted_iota(jnp.int32, (1, _B), 1)
        mf = jnp.where(col_id > row_id, 1.0, 0.0)
        dt = ti - tj
        s = jnp.sign(dt) * mf
        m = s * s
        cc = jnp.maximum(m - (pi - pj) * s, 0.0)
        e = pi - ti
        vs_ref[...] += jnp.sum(cc, axis=0, keepdims=True)
        vc_ref[...] += jnp.sum(m, axis=0, keepdims=True)
        sm_ref[0] += jnp.sum(e * e)

    @pl.when(jnp.logical_and(ib == _R // _B - 1, jb == _N // _B - 1))
    def _finish():
        out_ref[0] = jnp.sum(vs_ref[...])
        out_ref[1] = jnp.sum(vc_ref[...])
        out_ref[2] = sm_ref[0]


def _tc_call(pc, tc_, pr, tr):
    return pl.pallas_call(
        _tc_band,
        grid=(_R // _B, _N // _B),
        in_specs=[
            pl.BlockSpec((_B, 1), lambda i, j: (i, 0)),
            pl.BlockSpec((_B, 1), lambda i, j: (i, 0)),
            pl.BlockSpec((1, _B), lambda i, j: (0, j)),
            pl.BlockSpec((1, _B), lambda i, j: (0, j)),
        ],
        out_specs=pl.BlockSpec(memory_space=pltpu.SMEM),
        out_shape=jax.ShapeDtypeStruct((4,), jnp.float32),
        scratch_shapes=[
            pltpu.VMEM((1, _B), jnp.float32),
            pltpu.VMEM((1, _B), jnp.float32),
            pltpu.SMEM((4,), jnp.float32),
        ],
    )(pc, tc_, pr, tr)


@functools.partial(
    pl.kernel,
    out_type=jax.ShapeDtypeStruct((_NW, 3, _L), jnp.float32),
    mesh=_mesh,
    scratch_types=[
        pltpu.VMEM((_N,), jnp.float32),
        pltpu.VMEM((_N,), jnp.float32),
        pltpu.VMEM((3, _L), jnp.float32),
    ],
)
def _sc_loss(p_hbm, t_hbm, out_hbm, p_v, t_v, acc_v):
    c = lax.axis_index("c")
    s = lax.axis_index("s")
    wid = s * _NC + c

    pltpu.sync_copy(p_hbm, p_v)
    pltpu.sync_copy(t_hbm, t_v)

    zero = jnp.zeros((_L,), jnp.float32)
    lane = lax.iota(jnp.int32, _L)

    def group_body(q, carry):
        acc_s, acc_c, acc_e = carry
        grp = _G0 + wid + q * _NW
        base = grp * _L
        pg = p_v[pl.ds(base, _L)]
        tg = t_v[pl.ds(base, _L)]

        e = pg - tg
        acc_e = acc_e + e * e

        pib = [_bcast_lane(pg, k) for k in range(_L)]
        tib = [_bcast_lane(tg, k) for k in range(_L)]

        for k in range(_L):
            dt = tib[k] - tg
            sg = jnp.where(lane > k, jnp.sign(dt), 0.0)
            m = sg * sg
            cc = jnp.maximum(m - (pib[k] - pg) * sg, 0.0)
            acc_s = acc_s + cc
            acc_c = acc_c + m

        def j_body(jv, jcarry):
            a_s, a_c = jcarry
            pj = p_v[pl.ds(jv * _L, _L)]
            tj = t_v[pl.ds(jv * _L, _L)]
            for k in range(_L):
                dt = tib[k] - tj
                sg = jnp.sign(dt)
                m = sg * sg
                cc = jnp.maximum(m - (pib[k] - pj) * sg, 0.0)
                a_s = a_s + cc
                a_c = a_c + m
            return (a_s, a_c)

        acc_s, acc_c = lax.fori_loop(grp + 1, _NG, j_body, (acc_s, acc_c))
        return (acc_s, acc_c, acc_e)

    acc_s, acc_c, acc_e = lax.fori_loop(0, _GPW, group_body, (zero, zero, zero))

    acc_v[0, :] = acc_s
    acc_v[1, :] = acc_c
    acc_v[2, :] = acc_e

    pltpu.sync_copy(acc_v, out_hbm.at[wid])


@jax.jit
def kernel(pred, target):
    p = pred.reshape(_N)
    t = target.reshape(_N)
    sc_parts = _sc_loss(p, t)
    tc_parts = _tc_call(pred.reshape(_N, 1), target.reshape(_N, 1),
                        pred.reshape(1, _N), target.reshape(1, _N))
    pair_sum = jnp.sum(sc_parts[:, 0, :]) + tc_parts[0]
    pair_cnt = jnp.sum(sc_parts[:, 1, :]) + tc_parts[1]
    sq_err = jnp.sum(sc_parts[:, 2, :]) + tc_parts[2]
    return sq_err / _N + _ALPHA * pair_sum / jnp.maximum(pair_cnt, 1.0)

# --- scband reference (transcript-rebuilt; emitter-appended) ---
"""Pipeline reference for scband-mserank-loss-47167330844741 (READ-ONLY COPY).

The authoritative reference and input builder live on the scoring server;
editing this copy changes nothing except your own understanding.
"""

import jax, jax.numpy as jnp
import numpy as np


def setup_inputs(seed: int = 0) -> dict:
    key = jax.random.key(seed)
    k1, k2 = jax.random.split(key)
    pred = jax.random.normal(k1, (4096, 1), dtype=jnp.float32)
    target = jax.random.normal(k2, (4096, 1), dtype=jnp.float32)
    return {"pred": pred, "target": target}


def reference(pred, target):
    alpha = 4.0
    margin = 1.0
    p = pred.reshape(-1)
    t = target.reshape(-1)
    N = p.shape[0]
    regression_loss = jnp.mean((p - t) ** 2)
    rows, cols = jnp.triu_indices(N, k=1)
    diff_pred = p[rows] - p[cols]
    diff_target = t[rows] - t[cols]
    mask = diff_target != 0
    vals = jax.nn.relu(margin - diff_pred * jnp.sign(diff_target))
    denom = jnp.maximum(jnp.sum(mask), 1).astype(jnp.float32)
    pairwise_loss = jnp.sum(jnp.where(mask, vals, 0.0)) / denom
    total_loss = regression_loss + alpha * pairwise_loss
    return total_loss

if __name__ == "__main__":
    import jax
    _d = setup_inputs()
    print(jax.jit(kernel)(*tuple(_d.values())))

</pallas_src>

<mosaic_0001>
#map = affine_map<(d0, d1) -> (0)>
#map1 = affine_map<(d0, d1) -> (0, 0, 0)>
module attributes {stable_mosaic.version = 14 : i64} {
  func.func @_sc_loss(%arg0: i32, %arg1: i32, %arg2: memref<4096xf32, #tpu.memory_space<hbm>>, %arg3: memref<4096xf32, #tpu.memory_space<hbm>>, %arg4: memref<32x3x16xf32, #tpu.memory_space<hbm>>, %arg5: memref<4096xf32, #tpu.memory_space<vmem>>, %arg6: memref<4096xf32, #tpu.memory_space<vmem>>, %arg7: memref<3x16xf32, #tpu.memory_space<vmem>>) attributes {dimension_semantics = [#tpu.dimension_semantics<core_parallel>, #tpu.dimension_semantics<subcore_parallel>], iteration_bounds = array<i64: 2, 16>, scalar_prefetch = 0 : i64, scratch_operands = 3 : i64, tpu.core_type = #tpu.core_type<sc_vector_subcore>, window_params = [{transform_indices = #map}, {transform_indices = #map}, {transform_indices = #map1}]} {
    %mul3A = arith.constant 2 : i32
    %mul3A_0 = arith.muli %arg1, %mul3A : i32
    %add3A = arith.addi %mul3A_0, %arg0 : i32
    "tpu.region"() ({
      %run_scoped3A = tpu.sem_alloc : memref<!tpu.dma_semaphore, #tpu.memory_space<semaphore_mem>>
      tpu.enqueue_dma source(%arg2 : memref<4096xf32, #tpu.memory_space<hbm>>) target(%arg5 : memref<4096xf32, #tpu.memory_space<vmem>>) target_semaphore(%run_scoped3A : memref<!tpu.dma_semaphore, #tpu.memory_space<semaphore_mem>>)
      tpu.wait_dma2 semaphore(%run_scoped3A : memref<!tpu.dma_semaphore, #tpu.memory_space<semaphore_mem>>) src(%arg2 : memref<4096xf32, #tpu.memory_space<hbm>>) dst(%arg5 : memref<4096xf32, #tpu.memory_space<vmem>>)
      tpu.yield
    }) : () -> ()
    "tpu.region"() ({
      %run_scoped3A = tpu.sem_alloc : memref<!tpu.dma_semaphore, #tpu.memory_space<semaphore_mem>>
      tpu.enqueue_dma source(%arg3 : memref<4096xf32, #tpu.memory_space<hbm>>) target(%arg6 : memref<4096xf32, #tpu.memory_space<vmem>>) target_semaphore(%run_scoped3A : memref<!tpu.dma_semaphore, #tpu.memory_space<semaphore_mem>>)
      tpu.wait_dma2 semaphore(%run_scoped3A : memref<!tpu.dma_semaphore, #tpu.memory_space<semaphore_mem>>) src(%arg3 : memref<4096xf32, #tpu.memory_space<hbm>>) dst(%arg6 : memref<4096xf32, #tpu.memory_space<vmem>>)
      tpu.yield
    }) : () -> ()
    %broadcast_in_dim3A = arith.constant 0.000000e+00 : f32
    %broadcast_in_dim3A_1 = vector.broadcast %broadcast_in_dim3A : f32 to vector<16xf32>
    %iota3A = tpu.iota {dimensions = array<i32: 0>} : vector<16xi32>
    %scan3A = arith.constant 0 : i32
    %scan3A_2 = arith.constant 3 : i32
    %scan3A_3 = arith.addi %scan3A, %scan3A_2 : i32
    %scan3A_4 = arith.constant 1 : i32
    %scan3A_5:3 = scf.for %scan3A_24 = %scan3A to %scan3A_3 step %scan3A_4 iter_args(%scan3A_25 = %broadcast_in_dim3A_1, %scan3A_26 = %broadcast_in_dim3A_1, %scan3A_27 = %broadcast_in_dim3A_1) -> (vector<16xf32>, vector<16xf32>, vector<16xf32>)  : i32 {
      %add3A_28 = arith.constant 160 : i32
      %add3A_29 = arith.addi %add3A_28, %add3A : i32
      %mul3A_30 = arith.constant 32 : i32
      %mul3A_31 = arith.muli %scan3A_24, %mul3A_30 : i32
      %add3A_32 = arith.addi %add3A_29, %mul3A_31 : i32
      %mul3A_33 = arith.constant 16 : i32
      %mul3A_34 = arith.muli %add3A_32, %mul3A_33 : i32
      %get3A = arith.index_cast %mul3A_34 : i32 to index
      %get3A_35 = tpu.vector_load %arg5[%get3A] {strides = array<i32>} : memref<4096xf32, #tpu.memory_space<vmem>>, vector<16xf32>,
      %get3A_36 = vector.shape_cast %get3A_35 : vector<16xf32> to vector<16xf32>
      %get3A_37 = arith.index_cast %mul3A_34 : i32 to index
      %get3A_38 = tpu.vector_load %arg6[%get3A_37] {strides = array<i32>} : memref<4096xf32, #tpu.memory_space<vmem>>, vector<16xf32>,
      %get3A_39 = vector.shape_cast %get3A_38 : vector<16xf32> to vector<16xf32>
      %sub3A = arith.subf %get3A_36, %get3A_39 : vector<16xf32>
      %mul3A_40 = arith.mulf %sub3A, %sub3A : vector<16xf32>
      %add3A_41 = arith.addf %scan3A_27, %mul3A_40 : vector<16xf32>
      %broadcast_in_dim3A_42 = arith.constant 0 : i32
      %broadcast_in_dim3A_43 = vector.broadcast %broadcast_in_dim3A_42 : i32 to vector<16xi32>
      %broadcast_in_dim3A_44 = vector.shape_cast %broadcast_in_dim3A_43 : vector<16xi32> to vector<16x1xi32>
      %gather3A = vector.shape_cast %broadcast_in_dim3A_44 : vector<16x1xi32> to vector<16xi32>
      %gather3A_45 = tpu.dynamic_gather %get3A_36[%gather3A] in [0] : vector<16xf32>, vector<16xi32> -> vector<16xf32>
      %broadcast_in_dim3A_46 = arith.constant 1 : i32
      %broadcast_in_dim3A_47 = vector.broadcast %broadcast_in_dim3A_46 : i32 to vector<16xi32>
      %broadcast_in_dim3A_48 = vector.shape_cast %broadcast_in_dim3A_47 : vector<16xi32> to vector<16x1xi32>
      %gather3A_49 = vector.shape_cast %broadcast_in_dim3A_48 : vector<16x1xi32> to vector<16xi32>
      %gather3A_50 = tpu.dynamic_gather %get3A_36[%gather3A_49] in [0] : vector<16xf32>, vector<16xi32> -> vector<16xf32>
      %broadcast_in_dim3A_51 = arith.constant 2 : i32
      %broadcast_in_dim3A_52 = vector.broadcast %broadcast_in_dim3A_51 : i32 to vector<16xi32>
      %broadcast_in_dim3A_53 = vector.shape_cast %broadcast_in_dim3A_52 : vector<16xi32> to vector<16x1xi32>
      %gather3A_54 = vector.shape_cast %broadcast_in_dim3A_53 : vector<16x1xi32> to vector<16xi32>
      %gather3A_55 = tpu.dynamic_gather %get3A_36[%gather3A_54] in [0] : vector<16xf32>, vector<16xi32> -> vector<16xf32>
      %broadcast_in_dim3A_56 = arith.constant 3 : i32
      %broadcast_in_dim3A_57 = vector.broadcast %broadcast_in_dim3A_56 : i32 to vector<16xi32>
      %broadcast_in_dim3A_58 = vector.shape_cast %broadcast_in_dim3A_57 : vector<16xi32> to vector<16x1xi32>
      %gather3A_59 = vector.shape_cast %broadcast_in_dim3A_58 : vector<16x1xi32> to vector<16xi32>
      %gather3A_60 = tpu.dynamic_gather %get3A_36[%gather3A_59] in [0] : vector<16xf32>, vector<16xi32> -> vector<16xf32>
      %broadcast_in_dim3A_61 = arith.constant 4 : i32
      %broadcast_in_dim3A_62 = vector.broadcast %broadcast_in_dim3A_61 : i32 to vector<16xi32>
      %broadcast_in_dim3A_63 = vector.shape_cast %broadcast_in_dim3A_62 : vector<16xi32> to vector<16x1xi32>
      %gather3A_64 = vector.shape_cast %broadcast_in_dim3A_63 : vector<16x1xi32> to vector<16xi32>
      %gather3A_65 = tpu.dynamic_gather %get3A_36[%gather3A_64] in [0] : vector<16xf32>, vector<16xi32> -> vector<16xf32>
      %broadcast_in_dim3A_66 = arith.constant 5 : i32
      %broadcast_in_dim3A_67 = vector.broadcast %broadcast_in_dim3A_66 : i32 to vector<16xi32>
      %broadcast_in_dim3A_68 = vector.shape_cast %broadcast_in_dim3A_67 : vector<16xi32> to vector<16x1xi32>
      %gather3A_69 = vector.shape_cast %broadcast_in_dim3A_68 : vector<16x1xi32> to vector<16xi32>
      %gather3A_70 = tpu.dynamic_gather %get3A_36[%gather3A_69] in [0] : vector<16xf32>, vector<16xi32> -> vector<16xf32>
      %broadcast_in_dim3A_71 = arith.constant 6 : i32
      %broadcast_in_dim3A_72 = vector.broadcast %broadcast_in_dim3A_71 : i32 to vector<16xi32>
      %broadcast_in_dim3A_73 = vector.shape_cast %broadcast_in_dim3A_72 : vector<16xi32> to vector<16x1xi32>
      %gather3A_74 = vector.shape_cast %broadcast_in_dim3A_73 : vector<16x1xi32> to vector<16xi32>
      %gather3A_75 = tpu.dynamic_gather %get3A_36[%gather3A_74] in [0] : vector<16xf32>, vector<16xi32> -> vector<16xf32>
      %broadcast_in_dim3A_76 = arith.constant 7 : i32
      %broadcast_in_dim3A_77 = vector.broadcast %broadcast_in_dim3A_76 : i32 to vector<16xi32>
      %broadcast_in_dim3A_78 = vector.shape_cast %broadcast_in_dim3A_77 : vector<16xi32> to vector<16x1xi32>
      %gather3A_79 = vector.shape_cast %broadcast_in_dim3A_78 : vector<16x1xi32> to vector<16xi32>
      %gather3A_80 = tpu.dynamic_gather %get3A_36[%gather3A_79] in [0] : vector<16xf32>, vector<16xi32> -> vector<16xf32>
      %broadcast_in_dim3A_81 = arith.constant 8 : i32
      %broadcast_in_dim3A_82 = vector.broadcast %broadcast_in_dim3A_81 : i32 to vector<16xi32>
      %broadcast_in_dim3A_83 = vector.shape_cast %broadcast_in_dim3A_82 : vector<16xi32> to vector<16x1xi32>
      %gather3A_84 = vector.shape_cast %broadcast_in_dim3A_83 : vector<16x1xi32> to vector<16xi32>
      %gather3A_85 = tpu.dynamic_gather %get3A_36[%gather3A_84] in [0] : vector<16xf32>, vector<16xi32> -> vector<16xf32>
      %broadcast_in_dim3A_86 = arith.constant 9 : i32
      %broadcast_in_dim3A_87 = vector.broadcast %broadcast_in_dim3A_86 : i32 to vector<16xi32>
      %broadcast_in_dim3A_88 = vector.shape_cast %broadcast_in_dim3A_87 : vector<16xi32> to vector<16x1xi32>
      %gather3A_89 = vector.shape_cast %broadcast_in_dim3A_88 : vector<16x1xi32> to vector<16xi32>
      %gather3A_90 = tpu.dynamic_gather %get3A_36[%gather3A_89] in [0] : vector<16xf32>, vector<16xi32> -> vector<16xf32>
      %broadcast_in_dim3A_91 = arith.constant 10 : i32
      %broadcast_in_dim3A_92 = vector.broadcast %broadcast_in_dim3A_91 : i32 to vector<16xi32>
      %broadcast_in_dim3A_93 = vector.shape_cast %broadcast_in_dim3A_92 : vector<16xi32> to vector<16x1xi32>
      %gather3A_94 = vector.shape_cast %broadcast_in_dim3A_93 : vector<16x1xi32> to vector<16xi32>
      %gather3A_95 = tpu.dynamic_gather %get3A_36[%gather3A_94] in [0] : vector<16xf32>, vector<16xi32> -> vector<16xf32>
      %broadcast_in_dim3A_96 = arith.constant 11 : i32
      %broadcast_in_dim3A_97 = vector.broadcast %broadcast_in_dim3A_96 : i32 to vector<16xi32>
      %broadcast_in_dim3A_98 = vector.shape_cast %broadcast_in_dim3A_97 : vector<16xi32> to vector<16x1xi32>
      %gather3A_99 = vector.shape_cast %broadcast_in_dim3A_98 : vector<16x1xi32> to vector<16xi32>
      %gather3A_100 = tpu.dynamic_gather %get3A_36[%gather3A_99] in [0] : vector<16xf32>, vector<16xi32> -> vector<16xf32>
      %broadcast_in_dim3A_101 = arith.constant 12 : i32
      %broadcast_in_dim3A_102 = vector.broadcast %broadcast_in_dim3A_101 : i32 to vector<16xi32>
      %broadcast_in_dim3A_103 = vector.shape_cast %broadcast_in_dim3A_102 : vector<16xi32> to vector<16x1xi32>
      %gather3A_104 = vector.shape_cast %broadcast_in_dim3A_103 : vector<16x1xi32> to vector<16xi32>
      %gather3A_105 = tpu.dynamic_gather %get3A_36[%gather3A_104] in [0] : vector<16xf32>, vector<16xi32> -> vector<16xf32>
      %broadcast_in_dim3A_106 = arith.constant 13 : i32
      %broadcast_in_dim3A_107 = vector.broadcast %broadcast_in_dim3A_106 : i32 to vector<16xi32>
      %broadcast_in_dim3A_108 = vector.shape_cast %broadcast_in_dim3A_107 : vector<16xi32> to vector<16x1xi32>
      %gather3A_109 = vector.shape_cast %broadcast_in_dim3A_108 : vector<16x1xi32> to vector<16xi32>
      %gather3A_110 = tpu.dynamic_gather %get3A_36[%gather3A_109] in [0] : vector<16xf32>, vector<16xi32> -> vector<16xf32>
      %broadcast_in_dim3A_111 = arith.constant 14 : i32
      %broadcast_in_dim3A_112 = vector.broadcast %broadcast_in_dim3A_111 : i32 to vector<16xi32>
      %broadcast_in_dim3A_113 = vector.shape_cast %broadcast_in_dim3A_112 : vector<16xi32> to vector<16x1xi32>
      %gather3A_114 = vector.shape_cast %broadcast_in_dim3A_113 : vector<16x1xi32> to vector<16xi32>
      %gather3A_115 = tpu.dynamic_gather %get3A_36[%gather3A_114] in [0] : vector<16xf32>, vector<16xi32> -> vector<16xf32>
      %broadcast_in_dim3A_116 = arith.constant 15 : i32
      %broadcast_in_dim3A_117 = vector.broadcast %broadcast_in_dim3A_116 : i32 to vector<16xi32>
      %broadcast_in_dim3A_118 = vector.shape_cast %broadcast_in_dim3A_117 : vector<16xi32> to vector<16x1xi32>
      %gather3A_119 = vector.shape_cast %broadcast_in_dim3A_118 : vector<16x1xi32> to vector<16xi32>
      %gather3A_120 = tpu.dynamic_gather %get3A_36[%gather3A_119] in [0] : vector<16xf32>, vector<16xi32> -> vector<16xf32>
      %broadcast_in_dim3A_121 = arith.constant 0 : i32
      %broadcast_in_dim3A_122 = vector.broadcast %broadcast_in_dim3A_121 : i32 to vector<16xi32>
      %broadcast_in_dim3A_123 = vector.shape_cast %broadcast_in_dim3A_122 : vector<16xi32> to vector<16x1xi32>
      %gather3A_124 = vector.shape_cast %broadcast_in_dim3A_123 : vector<16x1xi32> to vector<16xi32>
      %gather3A_125 = tpu.dynamic_gather %get3A_39[%gather3A_124] in [0] : vector<16xf32>, vector<16xi32> -> vector<16xf32>
      %broadcast_in_dim3A_126 = arith.constant 1 : i32
      %broadcast_in_dim3A_127 = vector.broadcast %broadcast_in_dim3A_126 : i32 to vector<16xi32>
      %broadcast_in_dim3A_128 = vector.shape_cast %broadcast_in_dim3A_127 : vector<16xi32> to vector<16x1xi32>
      %gather3A_129 = vector.shape_cast %broadcast_in_dim3A_128 : vector<16x1xi32> to vector<16xi32>
      %gather3A_130 = tpu.dynamic_gather %get3A_39[%gather3A_129] in [0] : vector<16xf32>, vector<16xi32> -> vector<16xf32>
      %broadcast_in_dim3A_131 = arith.constant 2 : i32
      %broadcast_in_dim3A_132 = vector.broadcast %broadcast_in_dim3A_131 : i32 to vector<16xi32>
      %broadcast_in_dim3A_133 = vector.shape_cast %broadcast_in_dim3A_132 : vector<16xi32> to vector<16x1xi32>
      %gather3A_134 = vector.shape_cast %broadcast_in_dim3A_133 : vector<16x1xi32> to vector<16xi32>
      %gather3A_135 = tpu.dynamic_gather %get3A_39[%gather3A_134] in [0] : vector<16xf32>, vector<16xi32> -> vector<16xf32>
      %broadcast_in_dim3A_136 = arith.constant 3 : i32
      %broadcast_in_dim3A_137 = vector.broadcast %broadcast_in_dim3A_136 : i32 to vector<16xi32>
      %broadcast_in_dim3A_138 = vector.shape_cast %broadcast_in_dim3A_137 : vector<16xi32> to vector<16x1xi32>
      %gather3A_139 = vector.shape_cast %broadcast_in_dim3A_138 : vector<16x1xi32> to vector<16xi32>
      %gather3A_140 = tpu.dynamic_gather %get3A_39[%gather3A_139] in [0] : vector<16xf32>, vector<16xi32> -> vector<16xf32>
      %broadcast_in_dim3A_141 = arith.constant 4 : i32
      %broadcast_in_dim3A_142 = vector.broadcast %broadcast_in_dim3A_141 : i32 to vector<16xi32>
      %broadcast_in_dim3A_143 = vector.shape_cast %broadcast_in_dim3A_142 : vector<16xi32> to vector<16x1xi32>
      %gather3A_144 = vector.shape_cast %broadcast_in_dim3A_143 : vector<16x1xi32> to vector<16xi32>
      %gather3A_145 = tpu.dynamic_gather %get3A_39[%gather3A_144] in [0] : vector<16xf32>, vector<16xi32> -> vector<16xf32>
      %broadcast_in_dim3A_146 = arith.constant 5 : i32
      %broadcast_in_dim3A_147 = vector.broadcast %broadcast_in_dim3A_146 : i32 to vector<16xi32>
      %broadcast_in_dim3A_148 = vector.shape_cast %broadcast_in_dim3A_147 : vector<16xi32> to vector<16x1xi32>
      %gather3A_149 = vector.shape_cast %broadcast_in_dim3A_148 : vector<16x1xi32> to vector<16xi32>
      %gather3A_150 = tpu.dynamic_gather %get3A_39[%gather3A_149] in [0] : vector<16xf32>, vector<16xi32> -> vector<16xf32>
      %broadcast_in_dim3A_151 = arith.constant 6 : i32
      %broadcast_in_dim3A_152 = vector.broadcast %broadcast_in_dim3A_151 : i32 to vector<16xi32>
      %broadcast_in_dim3A_153 = vector.shape_cast %broadcast_in_dim3A_152 : vector<16xi32> to vector<16x1xi32>
      %gather3A_154 = vector.shape_cast %broadcast_in_dim3A_153 : vector<16x1xi32> to vector<16xi32>
      %gather3A_155 = tpu.dynamic_gather %get3A_39[%gather3A_154] in [0] : vector<16xf32>, vector<16xi32> -> vector<16xf32>
      %broadcast_in_dim3A_156 = arith.constant 7 : i32
      %broadcast_in_dim3A_157 = vector.broadcast %broadcast_in_dim3A_156 : i32 to vector<16xi32>
      %broadcast_in_dim3A_158 = vector.shape_cast %broadcast_in_dim3A_157 : vector<16xi32> to vector<16x1xi32>
      %gather3A_159 = vector.shape_cast %broadcast_in_dim3A_158 : vector<16x1xi32> to vector<16xi32>
      %gather3A_160 = tpu.dynamic_gather %get3A_39[%gather3A_159] in [0] : vector<16xf32>, vector<16xi32> -> vector<16xf32>
      %broadcast_in_dim3A_161 = arith.constant 8 : i32
      %broadcast_in_dim3A_162 = vector.broadcast %broadcast_in_dim3A_161 : i32 to vector<16xi32>
      %broadcast_in_dim3A_163 = vector.shape_cast %broadcast_in_dim3A_162 : vector<16xi32> to vector<16x1xi32>
      %gather3A_164 = vector.shape_cast %broadcast_in_dim3A_163 : vector<16x1xi32> to vector<16xi32>
      %gather3A_165 = tpu.dynamic_gather %get3A_39[%gather3A_164] in [0] : vector<16xf32>, vector<16xi32> -> vector<16xf32>
      %broadcast_in_dim3A_166 = arith.constant 9 : i32
      %broadcast_in_dim3A_167 = vector.broadcast %broadcast_in_dim3A_166 : i32 to vector<16xi32>
      %broadcast_in_dim3A_168 = vector.shape_cast %broadcast_in_dim3A_167 : vector<16xi32> to vector<16x1xi32>
      %gather3A_169 = vector.shape_cast %broadcast_in_dim3A_168 : vector<16x1xi32> to vector<16xi32>
      %gather3A_170 = tpu.dynamic_gather %get3A_39[%gather3A_169] in [0] : vector<16xf32>, vector<16xi32> -> vector<16xf32>
      %broadcast_in_dim3A_171 = arith.constant 10 : i32
      %broadcast_in_dim3A_172 = vector.broadcast %broadcast_in_dim3A_171 : i32 to vector<16xi32>
      %broadcast_in_dim3A_173 = vector.shape_cast %broadcast_in_dim3A_172 : vector<16xi32> to vector<16x1xi32>
      %gather3A_174 = vector.shape_cast %broadcast_in_dim3A_173 : vector<16x1xi32> to vector<16xi32>
      %gather3A_175 = tpu.dynamic_gather %get3A_39[%gather3A_174] in [0] : vector<16xf32>, vector<16xi32> -> vector<16xf32>
      %broadcast_in_dim3A_176 = arith.constant 11 : i32
      %broadcast_in_dim3A_177 = vector.broadcast %broadcast_in_dim3A_176 : i32 to vector<16xi32>
      %broadcast_in_dim3A_178 = vector.shape_cast %broadcast_in_dim3A_177 : vector<16xi32> to vector<16x1xi32>
      %gather3A_179 = vector.shape_cast %broadcast_in_dim3A_178 : vector<16x1xi32> to vector<16xi32>
      %gather3A_180 = tpu.dynamic_gather %get3A_39[%gather3A_179] in [0] : vector<16xf32>, vector<16xi32> -> vector<16xf32>
      %broadcast_in_dim3A_181 = arith.constant 12 : i32
      %broadcast_in_dim3A_182 = vector.broadcast %broadcast_in_dim3A_181 : i32 to vector<16xi32>
      %broadcast_in_dim3A_183 = vector.shape_cast %broadcast_in_dim3A_182 : vector<16xi32> to vector<16x1xi32>
      %gather3A_184 = vector.shape_cast %broadcast_in_dim3A_183 : vector<16x1xi32> to vector<16xi32>
      %gather3A_185 = tpu.dynamic_gather %get3A_39[%gather3A_184] in [0] : vector<16xf32>, vector<16xi32> -> vector<16xf32>
      %broadcast_in_dim3A_186 = arith.constant 13 : i32
      %broadcast_in_dim3A_187 = vector.broadcast %broadcast_in_dim3A_186 : i32 to vector<16xi32>
      %broadcast_in_dim3A_188 = vector.shape_cast %broadcast_in_dim3A_187 : vector<16xi32> to vector<16x1xi32>
      %gather3A_189 = vector.shape_cast %broadcast_in_dim3A_188 : vector<16x1xi32> to vector<16xi32>
      %gather3A_190 = tpu.dynamic_gather %get3A_39[%gather3A_189] in [0] : vector<16xf32>, vector<16xi32> -> vector<16xf32>
      %broadcast_in_dim3A_191 = arith.constant 14 : i32
      %broadcast_in_dim3A_192 = vector.broadcast %broadcast_in_dim3A_191 : i32 to vector<16xi32>
      %broadcast_in_dim3A_193 = vector.shape_cast %broadcast_in_dim3A_192 : vector<16xi32> to vector<16x1xi32>
      %gather3A_194 = vector.shape_cast %broadcast_in_dim3A_193 : vector<16x1xi32> to vector<16xi32>
      %gather3A_195 = tpu.dynamic_gather %get3A_39[%gather3A_194] in [0] : vector<16xf32>, vector<16xi32> -> vector<16xf32>
      %broadcast_in_dim3A_196 = arith.constant 15 : i32
      %broadcast_in_dim3A_197 = vector.broadcast %broadcast_in_dim3A_196 : i32 to vector<16xi32>
      %broadcast_in_dim3A_198 = vector.shape_cast %broadcast_in_dim3A_197 : vector<16xi32> to vector<16x1xi32>
      %gather3A_199 = vector.shape_cast %broadcast_in_dim3A_198 : vector<16x1xi32> to vector<16xi32>
      %gather3A_200 = tpu.dynamic_gather %get3A_39[%gather3A_199] in [0] : vector<16xf32>, vector<16xi32> -> vector<16xf32>
      %sub3A_201 = arith.subf %gather3A_125, %get3A_39 : vector<16xf32>
      %gt3A = arith.constant 0 : i32
      %gt3A_202 = vector.broadcast %gt3A : i32 to vector<16xi32>
      %gt3A_203 = arith.cmpi sgt, %iota3A, %gt3A_202 : vector<16xi32>
      %sign3A = tpu.bitcast %sub3A_201 : vector<16xf32> -> vector<16xi32>
      %sign3A_204 = arith.constant -2147483648 : i32
      %sign3A_205 = vector.broadcast %sign3A_204 : i32 to vector<16xi32>
      %sign3A_206 = arith.andi %sign3A, %sign3A_205 : vector<16xi32>
      %sign3A_207 = arith.constant 1065353216 : i32
      %sign3A_208 = vector.broadcast %sign3A_207 : i32 to vector<16xi32>
      %sign3A_209 = arith.ori %sign3A_208, %sign3A_206 : vector<16xi32>
      %sign3A_210 = tpu.bitcast %sign3A_209 : vector<16xi32> -> vector<16xf32>
      %sign3A_211 = math.absf %sub3A_201 : vector<16xf32>
      %sign3A_212 = arith.constant 0.000000e+00 : f32
      %sign3A_213 = vector.broadcast %sign3A_212 : f32 to vector<16xf32>
      %sign3A_214 = arith.cmpf ogt, %sign3A_211, %sign3A_213 : vector<16xf32>
      %sign3A_215 = arith.select %sign3A_214, %sign3A_210, %sub3A_201 : vector<16xi1>, vector<16xf32>
      %jit3A = arith.constant 0.000000e+00 : f32
      %broadcast_in_dim3A_216 = vector.broadcast %jit3A : f32 to vector<16xf32>
      %select_n3A = arith.select %gt3A_203, %sign3A_215, %broadcast_in_dim3A_216 : vector<16xi1>, vector<16xf32>
      %mul3A_217 = arith.mulf %select_n3A, %select_n3A : vector<16xf32>
      %sub3A_218 = arith.subf %gather3A_45, %get3A_36 : vector<16xf32>
      %mul3A_219 = arith.mulf %sub3A_218, %select_n3A : vector<16xf32>
      %sub3A_220 = arith.subf %mul3A_217, %mul3A_219 : vector<16xf32>
      %max3A = arith.constant 0.000000e+00 : f32
      %max3A_221 = vector.broadcast %max3A : f32 to vector<16xf32>
      %max3A_222 = arith.maximumf %sub3A_220, %max3A_221 : vector<16xf32>
      %add3A_223 = arith.addf %scan3A_25, %max3A_222 : vector<16xf32>
      %add3A_224 = arith.addf %scan3A_26, %mul3A_217 : vector<16xf32>
      %sub3A_225 = arith.subf %gather3A_130, %get3A_39 : vector<16xf32>
      %gt3A_226 = arith.constant 1 : i32
      %gt3A_227 = vector.broadcast %gt3A_226 : i32 to vector<16xi32>
      %gt3A_228 = arith.cmpi sgt, %iota3A, %gt3A_227 : vector<16xi32>
      %sign3A_229 = tpu.bitcast %sub3A_225 : vector<16xf32> -> vector<16xi32>
      %sign3A_230 = arith.constant -2147483648 : i32
      %sign3A_231 = vector.broadcast %sign3A_230 : i32 to vector<16xi32>
      %sign3A_232 = arith.andi %sign3A_229, %sign3A_231 : vector<16xi32>
      %sign3A_233 = arith.constant 1065353216 : i32
      %sign3A_234 = vector.broadcast %sign3A_233 : i32 to vector<16xi32>
      %sign3A_235 = arith.ori %sign3A_234, %sign3A_232 : vector<16xi32>
      %sign3A_236 = tpu.bitcast %sign3A_235 : vector<16xi32> -> vector<16xf32>
      %sign3A_237 = math.absf %sub3A_225 : vector<16xf32>
      %sign3A_238 = arith.constant 0.000000e+00 : f32
      %sign3A_239 = vector.broadcast %sign3A_238 : f32 to vector<16xf32>
      %sign3A_240 = arith.cmpf ogt, %sign3A_237, %sign3A_239 : vector<16xf32>
      %sign3A_241 = arith.select %sign3A_240, %sign3A_236, %sub3A_225 : vector<16xi1>, vector<16xf32>
      %jit3A_242 = arith.constant 0.000000e+00 : f32
      %broadcast_in_dim3A_243 = vector.broadcast %jit3A_242 : f32 to vector<16xf32>
      %select_n3A_244 = arith.select %gt3A_228, %sign3A_241, %broadcast_in_dim3A_243 : vector<16xi1>, vector<16xf32>
      %mul3A_245 = arith.mulf %select_n3A_244, %select_n3A_244 : vector<16xf32>
      %sub3A_246 = arith.subf %gather3A_50, %get3A_36 : vector<16xf32>
      %mul3A_247 = arith.mulf %sub3A_246, %select_n3A_244 : vector<16xf32>
      %sub3A_248 = arith.subf %mul3A_245, %mul3A_247 : vector<16xf32>
      %max3A_249 = arith.constant 0.000000e+00 : f32
      %max3A_250 = vector.broadcast %max3A_249 : f32 to vector<16xf32>
      %max3A_251 = arith.maximumf %sub3A_248, %max3A_250 : vector<16xf32>
      %add3A_252 = arith.addf %add3A_223, %max3A_251 : vector<16xf32>
      %add3A_253 = arith.addf %add3A_224, %mul3A_245 : vector<16xf32>
      %sub3A_254 = arith.subf %gather3A_135, %get3A_39 : vector<16xf32>
      %gt3A_255 = arith.constant 2 : i32
      %gt3A_256 = vector.broadcast %gt3A_255 : i32 to vector<16xi32>
      %gt3A_257 = arith.cmpi sgt, %iota3A, %gt3A_256 : vector<16xi32>
      %sign3A_258 = tpu.bitcast %sub3A_254 : vector<16xf32> -> vector<16xi32>
      %sign3A_259 = arith.constant -2147483648 : i32
      %sign3A_260 = vector.broadcast %sign3A_259 : i32 to vector<16xi32>
      %sign3A_261 = arith.andi %sign3A_258, %sign3A_260 : vector<16xi32>
      %sign3A_262 = arith.constant 1065353216 : i32
      %sign3A_263 = vector.broadcast %sign3A_262 : i32 to vector<16xi32>
      %sign3A_264 = arith.ori %sign3A_263, %sign3A_261 : vector<16xi32>
      %sign3A_265 = tpu.bitcast %sign3A_264 : vector<16xi32> -> vector<16xf32>
      %sign3A_266 = math.absf %sub3A_254 : vector<16xf32>
      %sign3A_267 = arith.constant 0.000000e+00 : f32
      %sign3A_268 = vector.broadcast %sign3A_267 : f32 to vector<16xf32>
      %sign3A_269 = arith.cmpf ogt, %sign3A_266, %sign3A_268 : vector<16xf32>
      %sign3A_270 = arith.select %sign3A_269, %sign3A_265, %sub3A_254 : vector<16xi1>, vector<16xf32>
      %jit3A_271 = arith.constant 0.000000e+00 : f32
      %broadcast_in_dim3A_272 = vector.broadcast %jit3A_271 : f32 to vector<16xf32>
      %select_n3A_273 = arith.select %gt3A_257, %sign3A_270, %broadcast_in_dim3A_272 : vector<16xi1>, vector<16xf32>
      %mul3A_274 = arith.mulf %select_n3A_273, %select_n3A_273 : vector<16xf32>
      %sub3A_275 = arith.subf %gather3A_55, %get3A_36 : vector<16xf32>
      %mul3A_276 = arith.mulf %sub3A_275, %select_n3A_273 : vector<16xf32>
      %sub3A_277 = arith.subf %mul3A_274, %mul3A_276 : vector<16xf32>
      %max3A_278 = arith.constant 0.000000e+00 : f32
      %max3A_279 = vector.broadcast %max3A_278 : f32 to vector<16xf32>
      %max3A_280 = arith.maximumf %sub3A_277, %max3A_279 : vector<16xf32>
      %add3A_281 = arith.addf %add3A_252, %max3A_280 : vector<16xf32>
      %add3A_282 = arith.addf %add3A_253, %mul3A_274 : vector<16xf32>
      %sub3A_283 = arith.subf %gather3A_140, %get3A_39 : vector<16xf32>
      %gt3A_284 = arith.constant 3 : i32
      %gt3A_285 = vector.broadcast %gt3A_284 : i32 to vector<16xi32>
      %gt3A_286 = arith.cmpi sgt, %iota3A, %gt3A_285 : vector<16xi32>
      %sign3A_287 = tpu.bitcast %sub3A_283 : vector<16xf32> -> vector<16xi32>
      %sign3A_288 = arith.constant -2147483648 : i32
      %sign3A_289 = vector.broadcast %sign3A_288 : i32 to vector<16xi32>
      %sign3A_290 = arith.andi %sign3A_287, %sign3A_289 : vector<16xi32>
      %sign3A_291 = arith.constant 1065353216 : i32
      %sign3A_292 = vector.broadcast %sign3A_291 : i32 to vector<16xi32>
      %sign3A_293 = arith.ori %sign3A_292, %sign3A_290 : vector<16xi32>
      %sign3A_294 = tpu.bitcast %sign3A_293 : vector<16xi32> -> vector<16xf32>
      %sign3A_295 = math.absf %sub3A_283 : vector<16xf32>
      %sign3A_296 = arith.constant 0.000000e+00 : f32
      %sign3A_297 = vector.broadcast %sign3A_296 : f32 to vector<16xf32>
      %sign3A_298 = arith.cmpf ogt, %sign3A_295, %sign3A_297 : vector<16xf32>
      %sign3A_299 = arith.select %sign3A_298, %sign3A_294, %sub3A_283 : vector<16xi1>, vector<16xf32>
      %jit3A_300 = arith.constant 0.000000e+00 : f32
      %broadcast_in_dim3A_301 = vector.broadcast %jit3A_300 : f32 to vector<16xf32>
      %select_n3A_302 = arith.select %gt3A_286, %sign3A_299, %broadcast_in_dim3A_301 : vector<16xi1>, vector<16xf32>
      %mul3A_303 = arith.mulf %select_n3A_302, %select_n3A_302 : vector<16xf32>
      %sub3A_304 = arith.subf %gather3A_60, %get3A_36 : vector<16xf32>
      %mul3A_305 = arith.mulf %sub3A_304, %select_n3A_302 : vector<16xf32>
      %sub3A_306 = arith.subf %mul3A_303, %mul3A_305 : vector<16xf32>
      %max3A_307 = arith.constant 0.000000e+00 : f32
      %max3A_308 = vector.broadcast %max3A_307 : f32 to vector<16xf32>
      %max3A_309 = arith.maximumf %sub3A_306, %max3A_308 : vector<16xf32>
      %add3A_310 = arith.addf %add3A_281, %max3A_309 : vector<16xf32>
      %add3A_311 = arith.addf %add3A_282, %mul3A_303 : vector<16xf32>
      %sub3A_312 = arith.subf %gather3A_145, %get3A_39 : vector<16xf32>
      %gt3A_313 = arith.constant 4 : i32
      %gt3A_314 = vector.broadcast %gt3A_313 : i32 to vector<16xi32>
      %gt3A_315 = arith.cmpi sgt, %iota3A, %gt3A_314 : vector<16xi32>
      %sign3A_316 = tpu.bitcast %sub3A_312 : vector<16xf32> -> vector<16xi32>
      %sign3A_317 = arith.constant -2147483648 : i32
      %sign3A_318 = vector.broadcast %sign3A_317 : i32 to vector<16xi32>
      %sign3A_319 = arith.andi %sign3A_316, %sign3A_318 : vector<16xi32>
      %sign3A_320 = arith.constant 1065353216 : i32
      %sign3A_321 = vector.broadcast %sign3A_320 : i32 to vector<16xi32>
      %sign3A_322 = arith.ori %sign3A_321, %sign3A_319 : vector<16xi32>
      %sign3A_323 = tpu.bitcast %sign3A_322 : vector<16xi32> -> vector<16xf32>
      %sign3A_324 = math.absf %sub3A_312 : vector<16xf32>
      %sign3A_325 = arith.constant 0.000000e+00 : f32
      %sign3A_326 = vector.broadcast %sign3A_325 : f32 to vector<16xf32>
      %sign3A_327 = arith.cmpf ogt, %sign3A_324, %sign3A_326 : vector<16xf32>
      %sign3A_328 = arith.select %sign3A_327, %sign3A_323, %sub3A_312 : vector<16xi1>, vector<16xf32>
      %jit3A_329 = arith.constant 0.000000e+00 : f32
      %broadcast_in_dim3A_330 = vector.broadcast %jit3A_329 : f32 to vector<16xf32>
      %select_n3A_331 = arith.select %gt3A_315, %sign3A_328, %broadcast_in_dim3A_330 : vector<16xi1>, vector<16xf32>
      %mul3A_332 = arith.mulf %select_n3A_331, %select_n3A_331 : vector<16xf32>
      %sub3A_333 = arith.subf %gather3A_65, %get3A_36 : vector<16xf32>
      %mul3A_334 = arith.mulf %sub3A_333, %select_n3A_331 : vector<16xf32>
      %sub3A_335 = arith.subf %mul3A_332, %mul3A_334 : vector<16xf32>
      %max3A_336 = arith.constant 0.000000e+00 : f32
      %max3A_337 = vector.broadcast %max3A_336 : f32 to vector<16xf32>
      %max3A_338 = arith.maximumf %sub3A_335, %max3A_337 : vector<16xf32>
      %add3A_339 = arith.addf %add3A_310, %max3A_338 : vector<16xf32>
      %add3A_340 = arith.addf %add3A_311, %mul3A_332 : vector<16xf32>
      %sub3A_341 = arith.subf %gather3A_150, %get3A_39 : vector<16xf32>
      %gt3A_342 = arith.constant 5 : i32
      %gt3A_343 = vector.broadcast %gt3A_342 : i32 to vector<16xi32>
      %gt3A_344 = arith.cmpi sgt, %iota3A, %gt3A_343 : vector<16xi32>
      %sign3A_345 = tpu.bitcast %sub3A_341 : vector<16xf32> -> vector<16xi32>
      %sign3A_346 = arith.constant -2147483648 : i32
      %sign3A_347 = vector.broadcast %sign3A_346 : i32 to vector<16xi32>
      %sign3A_348 = arith.andi %sign3A_345, %sign3A_347 : vector<16xi32>
      %sign3A_349 = arith.constant 1065353216 : i32
      %sign3A_350 = vector.broadcast %sign3A_349 : i32 to vector<16xi32>
      %sign3A_351 = arith.ori %sign3A_350, %sign3A_348 : vector<16xi32>
      %sign3A_352 = tpu.bitcast %sign3A_351 : vector<16xi32> -> vector<16xf32>
      %sign3A_353 = math.absf %sub3A_341 : vector<16xf32>
      %sign3A_354 = arith.constant 0.000000e+00 : f32
      %sign3A_355 = vector.broadcast %sign3A_354 : f32 to vector<16xf32>
      %sign3A_356 = arith.cmpf ogt, %sign3A_353, %sign3A_355 : vector<16xf32>
      %sign3A_357 = arith.select %sign3A_356, %sign3A_352, %sub3A_341 : vector<16xi1>, vector<16xf32>
      %jit3A_358 = arith.constant 0.000000e+00 : f32
      %broadcast_in_dim3A_359 = vector.broadcast %jit3A_358 : f32 to vector<16xf32>
      %select_n3A_360 = arith.select %gt3A_344, %sign3A_357, %broadcast_in_dim3A_359 : vector<16xi1>, vector<16xf32>
      %mul3A_361 = arith.mulf %select_n3A_360, %select_n3A_360 : vector<16xf32>
      %sub3A_362 = arith.subf %gather3A_70, %get3A_36 : vector<16xf32>
      %mul3A_363 = arith.mulf %sub3A_362, %select_n3A_360 : vector<16xf32>
      %sub3A_364 = arith.subf %mul3A_361, %mul3A_363 : vector<16xf32>
      %max3A_365 = arith.constant 0.000000e+00 : f32
      %max3A_366 = vector.broadcast %max3A_365 : f32 to vector<16xf32>
      %max3A_367 = arith.maximumf %sub3A_364, %max3A_366 : vector<16xf32>
      %add3A_368 = arith.addf %add3A_339, %max3A_367 : vector<16xf32>
      %add3A_369 = arith.addf %add3A_340, %mul3A_361 : vector<16xf32>
      %sub3A_370 = arith.subf %gather3A_155, %get3A_39 : vector<16xf32>
      %gt3A_371 = arith.constant 6 : i32
      %gt3A_372 = vector.broadcast %gt3A_371 : i32 to vector<16xi32>
      %gt3A_373 = arith.cmpi sgt, %iota3A, %gt3A_372 : vector<16xi32>
      %sign3A_374 = tpu.bitcast %sub3A_370 : vector<16xf32> -> vector<16xi32>
      %sign3A_375 = arith.constant -2147483648 : i32
      %sign3A_376 = vector.broadcast %sign3A_375 : i32 to vector<16xi32>
      %sign3A_377 = arith.andi %sign3A_374, %sign3A_376 : vector<16xi32>
      %sign3A_378 = arith.constant 1065353216 : i32
      %sign3A_379 = vector.broadcast %sign3A_378 : i32 to vector<16xi32>
      %sign3A_380 = arith.ori %sign3A_379, %sign3A_377 : vector<16xi32>
      %sign3A_381 = tpu.bitcast %sign3A_380 : vector<16xi32> -> vector<16xf32>
      %sign3A_382 = math.absf %sub3A_370 : vector<16xf32>
      %sign3A_383 = arith.constant 0.000000e+00 : f32
      %sign3A_384 = vector.broadcast %sign3A_383 : f32 to vector<16xf32>
      %sign3A_385 = arith.cmpf ogt, %sign3A_382, %sign3A_384 : vector<16xf32>
      %sign3A_386 = arith.select %sign3A_385, %sign3A_381, %sub3A_370 : vector<16xi1>, vector<16xf32>
      %jit3A_387 = arith.constant 0.000000e+00 : f32
      %broadcast_in_dim3A_388 = vector.broadcast %jit3A_387 : f32 to vector<16xf32>
      %select_n3A_389 = arith.select %gt3A_373, %sign3A_386, %broadcast_in_dim3A_388 : vector<16xi1>, vector<16xf32>
      %mul3A_390 = arith.mulf %select_n3A_389, %select_n3A_389 : vector<16xf32>
      %sub3A_391 = arith.subf %gather3A_75, %get3A_36 : vector<16xf32>
      %mul3A_392 = arith.mulf %sub3A_391, %select_n3A_389 : vector<16xf32>
      %sub3A_393 = arith.subf %mul3A_390, %mul3A_392 : vector<16xf32>
      %max3A_394 = arith.constant 0.000000e+00 : f32
      %max3A_395 = vector.broadcast %max3A_394 : f32 to vector<16xf32>
      %max3A_396 = arith.maximumf %sub3A_393, %max3A_395 : vector<16xf32>
      %add3A_397 = arith.addf %add3A_368, %max3A_396 : vector<16xf32>
      %add3A_398 = arith.addf %add3A_369, %mul3A_390 : vector<16xf32>
      %sub3A_399 = arith.subf %gather3A_160, %get3A_39 : vector<16xf32>
      %gt3A_400 = arith.constant 7 : i32
      %gt3A_401 = vector.broadcast %gt3A_400 : i32 to vector<16xi32>
      %gt3A_402 = arith.cmpi sgt, %iota3A, %gt3A_401 : vector<16xi32>
      %sign3A_403 = tpu.bitcast %sub3A_399 : vector<16xf32> -> vector<16xi32>
      %sign3A_404 = arith.constant -2147483648 : i32
      %sign3A_405 = vector.broadcast %sign3A_404 : i32 to vector<16xi32>
      %sign3A_406 = arith.andi %sign3A_403, %sign3A_405 : vector<16xi32>
      %sign3A_407 = arith.constant 1065353216 : i32
      %sign3A_408 = vector.broadcast %sign3A_407 : i32 to vector<16xi32>
      %sign3A_409 = arith.ori %sign3A_408, %sign3A_406 : vector<16xi32>
      %sign3A_410 = tpu.bitcast %sign3A_409 : vector<16xi32> -> vector<16xf32>
      %sign3A_411 = math.absf %sub3A_399 : vector<16xf32>
      %sign3A_412 = arith.constant 0.000000e+00 : f32
      %sign3A_413 = vector.broadcast %sign3A_412 : f32 to vector<16xf32>
      %sign3A_414 = arith.cmpf ogt, %sign3A_411, %sign3A_413 : vector<16xf32>
      %sign3A_415 = arith.select %sign3A_414, %sign3A_410, %sub3A_399 : vector<16xi1>, vector<16xf32>
      %jit3A_416 = arith.constant 0.000000e+00 : f32
      %broadcast_in_dim3A_417 = vector.broadcast %jit3A_416 : f32 to vector<16xf32>
      %select_n3A_418 = arith.select %gt3A_402, %sign3A_415, %broadcast_in_dim3A_417 : vector<16xi1>, vector<16xf32>
      %mul3A_419 = arith.mulf %select_n3A_418, %select_n3A_418 : vector<16xf32>
      %sub3A_420 = arith.subf %gather3A_80, %get3A_36 : vector<16xf32>
      %mul3A_421 = arith.mulf %sub3A_420, %select_n3A_418 : vector<16xf32>
      %sub3A_422 = arith.subf %mul3A_419, %mul3A_421 : vector<16xf32>
      %max3A_423 = arith.constant 0.000000e+00 : f32
      %max3A_424 = vector.broadcast %max3A_423 : f32 to vector<16xf32>
      %max3A_425 = arith.maximumf %sub3A_422, %max3A_424 : vector<16xf32>
      %add3A_426 = arith.addf %add3A_397, %max3A_425 : vector<16xf32>
      %add3A_427 = arith.addf %add3A_398, %mul3A_419 : vector<16xf32>
      %sub3A_428 = arith.subf %gather3A_165, %get3A_39 : vector<16xf32>
      %gt3A_429 = arith.constant 8 : i32
      %gt3A_430 = vector.broadcast %gt3A_429 : i32 to vector<16xi32>
      %gt3A_431 = arith.cmpi sgt, %iota3A, %gt3A_430 : vector<16xi32>
      %sign3A_432 = tpu.bitcast %sub3A_428 : vector<16xf32> -> vector<16xi32>
      %sign3A_433 = arith.constant -2147483648 : i32
      %sign3A_434 = vector.broadcast %sign3A_433 : i32 to vector<16xi32>
      %sign3A_435 = arith.andi %sign3A_432, %sign3A_434 : vector<16xi32>
      %sign3A_436 = arith.constant 1065353216 : i32
      %sign3A_437 = vector.broadcast %sign3A_436 : i32 to vector<16xi32>
      %sign3A_438 = arith.ori %sign3A_437, %sign3A_435 : vector<16xi32>
      %sign3A_439 = tpu.bitcast %sign3A_438 : vector<16xi32> -> vector<16xf32>
      %sign3A_440 = math.absf %sub3A_428 : vector<16xf32>
      %sign3A_441 = arith.constant 0.000000e+00 : f32
      %sign3A_442 = vector.broadcast %sign3A_441 : f32 to vector<16xf32>
      %sign3A_443 = arith.cmpf ogt, %sign3A_440, %sign3A_442 : vector<16xf32>
      %sign3A_444 = arith.select %sign3A_443, %sign3A_439, %sub3A_428 : vector<16xi1>, vector<16xf32>
      %jit3A_445 = arith.constant 0.000000e+00 : f32
      %broadcast_in_dim3A_446 = vector.broadcast %jit3A_445 : f32 to vector<16xf32>
      %select_n3A_447 = arith.select %gt3A_431, %sign3A_444, %broadcast_in_dim3A_446 : vector<16xi1>, vector<16xf32>
      %mul3A_448 = arith.mulf %select_n3A_447, %select_n3A_447 : vector<16xf32>
      %sub3A_449 = arith.subf %gather3A_85, %get3A_36 : vector<16xf32>
      %mul3A_450 = arith.mulf %sub3A_449, %select_n3A_447 : vector<16xf32>
      %sub3A_451 = arith.subf %mul3A_448, %mul3A_450 : vector<16xf32>
      %max3A_452 = arith.constant 0.000000e+00 : f32
      %max3A_453 = vector.broadcast %max3A_452 : f32 to vector<16xf32>
      %max3A_454 = arith.maximumf %sub3A_451, %max3A_453 : vector<16xf32>
      %add3A_455 = arith.addf %add3A_426, %max3A_454 : vector<16xf32>
      %add3A_456 = arith.addf %add3A_427, %mul3A_448 : vector<16xf32>
      %sub3A_457 = arith.subf %gather3A_170, %get3A_39 : vector<16xf32>
      %gt3A_458 = arith.constant 9 : i32
      %gt3A_459 = vector.broadcast %gt3A_458 : i32 to vector<16xi32>
      %gt3A_460 = arith.cmpi sgt, %iota3A, %gt3A_459 : vector<16xi32>
      %sign3A_461 = tpu.bitcast %sub3A_457 : vector<16xf32> -> vector<16xi32>
      %sign3A_462 = arith.constant -2147483648 : i32
      %sign3A_463 = vector.broadcast %sign3A_462 : i32 to vector<16xi32>
      %sign3A_464 = arith.andi %sign3A_461, %sign3A_463 : vector<16xi32>
      %sign3A_465 = arith.constant 1065353216 : i32
      %sign3A_466 = vector.broadcast %sign3A_465 : i32 to vector<16xi32>
      %sign3A_467 = arith.ori %sign3A_466, %sign3A_464 : vector<16xi32>
      %sign3A_468 = tpu.bitcast %sign3A_467 : vector<16xi32> -> vector<16xf32>
      %sign3A_469 = math.absf %sub3A_457 : vector<16xf32>
      %sign3A_470 = arith.constant 0.000000e+00 : f32
      %sign3A_471 = vector.broadcast %sign3A_470 : f32 to vector<16xf32>
      %sign3A_472 = arith.cmpf ogt, %sign3A_469, %sign3A_471 : vector<16xf32>
      %sign3A_473 = arith.select %sign3A_472, %sign3A_468, %sub3A_457 : vector<16xi1>, vector<16xf32>
      %jit3A_474 = arith.constant 0.000000e+00 : f32
      %broadcast_in_dim3A_475 = vector.broadcast %jit3A_474 : f32 to vector<16xf32>
      %select_n3A_476 = arith.select %gt3A_460, %sign3A_473, %broadcast_in_dim3A_475 : vector<16xi1>, vector<16xf32>
      %mul3A_477 = arith.mulf %select_n3A_476, %select_n3A_476 : vector<16xf32>
      %sub3A_478 = arith.subf %gather3A_90, %get3A_36 : vector<16xf32>
      %mul3A_479 = arith.mulf %sub3A_478, %select_n3A_476 : vector<16xf32>
      %sub3A_480 = arith.subf %mul3A_477, %mul3A_479 : vector<16xf32>
      %max3A_481 = arith.constant 0.000000e+00 : f32
      %max3A_482 = vector.broadcast %max3A_481 : f32 to vector<16xf32>
      %max3A_483 = arith.maximumf %sub3A_480, %max3A_482 : vector<16xf32>
      %add3A_484 = arith.addf %add3A_455, %max3A_483 : vector<16xf32>
      %add3A_485 = arith.addf %add3A_456, %mul3A_477 : vector<16xf32>
      %sub3A_486 = arith.subf %gather3A_175, %get3A_39 : vector<16xf32>
      %gt3A_487 = arith.constant 10 : i32
      %gt3A_488 = vector.broadcast %gt3A_487 : i32 to vector<16xi32>
      %gt3A_489 = arith.cmpi sgt, %iota3A, %gt3A_488 : vector<16xi32>
      %sign3A_490 = tpu.bitcast %sub3A_486 : vector<16xf32> -> vector<16xi32>
      %sign3A_491 = arith.constant -2147483648 : i32
      %sign3A_492 = vector.broadcast %sign3A_491 : i32 to vector<16xi32>
      %sign3A_493 = arith.andi %sign3A_490, %sign3A_492 : vector<16xi32>
      %sign3A_494 = arith.constant 1065353216 : i32
      %sign3A_495 = vector.broadcast %sign3A_494 : i32 to vector<16xi32>
      %sign3A_496 = arith.ori %sign3A_495, %sign3A_493 : vector<16xi32>
      %sign3A_497 = tpu.bitcast %sign3A_496 : vector<16xi32> -> vector<16xf32>
      %sign3A_498 = math.absf %sub3A_486 : vector<16xf32>
      %sign3A_499 = arith.constant 0.000000e+00 : f32
      %sign3A_500 = vector.broadcast %sign3A_499 : f32 to vector<16xf32>
      %sign3A_501 = arith.cmpf ogt, %sign3A_498, %sign3A_500 : vector<16xf32>
      %sign3A_502 = arith.select %sign3A_501, %sign3A_497, %sub3A_486 : vector<16xi1>, vector<16xf32>
      %jit3A_503 = arith.constant 0.000000e+00 : f32
      %broadcast_in_dim3A_504 = vector.broadcast %jit3A_503 : f32 to vector<16xf32>
      %select_n3A_505 = arith.select %gt3A_489, %sign3A_502, %broadcast_in_dim3A_504 : vector<16xi1>, vector<16xf32>
      %mul3A_506 = arith.mulf %select_n3A_505, %select_n3A_505 : vector<16xf32>
      %sub3A_507 = arith.subf %gather3A_95, %get3A_36 : vector<16xf32>
      %mul3A_508 = arith.mulf %sub3A_507, %select_n3A_505 : vector<16xf32>
      %sub3A_509 = arith.subf %mul3A_506, %mul3A_508 : vector<16xf32>
      %max3A_510 = arith.constant 0.000000e+00 : f32
      %max3A_511 = vector.broadcast %max3A_510 : f32 to vector<16xf32>
      %max3A_512 = arith.maximumf %sub3A_509, %max3A_511 : vector<16xf32>
      %add3A_513 = arith.addf %add3A_484, %max3A_512 : vector<16xf32>
      %add3A_514 = arith.addf %add3A_485, %mul3A_506 : vector<16xf32>
      %sub3A_515 = arith.subf %gather3A_180, %get3A_39 : vector<16xf32>
      %gt3A_516 = arith.constant 11 : i32
      %gt3A_517 = vector.broadcast %gt3A_516 : i32 to vector<16xi32>
      %gt3A_518 = arith.cmpi sgt, %iota3A, %gt3A_517 : vector<16xi32>
      %sign3A_519 = tpu.bitcast %sub3A_515 : vector<16xf32> -> vector<16xi32>
      %sign3A_520 = arith.constant -2147483648 : i32
      %sign3A_521 = vector.broadcast %sign3A_520 : i32 to vector<16xi32>
      %sign3A_522 = arith.andi %sign3A_519, %sign3A_521 : vector<16xi32>
      %sign3A_523 = arith.constant 1065353216 : i32
      %sign3A_524 = vector.broadcast %sign3A_523 : i32 to vector<16xi32>
      %sign3A_525 = arith.ori %sign3A_524, %sign3A_522 : vector<16xi32>
      %sign3A_526 = tpu.bitcast %sign3A_525 : vector<16xi32> -> vector<16xf32>
      %sign3A_527 = math.absf %sub3A_515 : vector<16xf32>
      %sign3A_528 = arith.constant 0.000000e+00 : f32
      %sign3A_529 = vector.broadcast %sign3A_528 : f32 to vector<16xf32>
      %sign3A_530 = arith.cmpf ogt, %sign3A_527, %sign3A_529 : vector<16xf32>
      %sign3A_531 = arith.select %sign3A_530, %sign3A_526, %sub3A_515 : vector<16xi1>, vector<16xf32>
      %jit3A_532 = arith.constant 0.000000e+00 : f32
      %broadcast_in_dim3A_533 = vector.broadcast %jit3A_532 : f32 to vector<16xf32>
      %select_n3A_534 = arith.select %gt3A_518, %sign3A_531, %broadcast_in_dim3A_533 : vector<16xi1>, vector<16xf32>
      %mul3A_535 = arith.mulf %select_n3A_534, %select_n3A_534 : vector<16xf32>
      %sub3A_536 = arith.subf %gather3A_100, %get3A_36 : vector<16xf32>
      %mul3A_537 = arith.mulf %sub3A_536, %select_n3A_534 : vector<16xf32>
      %sub3A_538 = arith.subf %mul3A_535, %mul3A_537 : vector<16xf32>
      %max3A_539 = arith.constant 0.000000e+00 : f32
      %max3A_540 = vector.broadcast %max3A_539 : f32 to vector<16xf32>
      %max3A_541 = arith.maximumf %sub3A_538, %max3A_540 : vector<16xf32>
      %add3A_542 = arith.addf %add3A_513, %max3A_541 : vector<16xf32>
      %add3A_543 = arith.addf %add3A_514, %mul3A_535 : vector<16xf32>
      %sub3A_544 = arith.subf %gather3A_185, %get3A_39 : vector<16xf32>
      %gt3A_545 = arith.constant 12 : i32
      %gt3A_546 = vector.broadcast %gt3A_545 : i32 to vector<16xi32>
      %gt3A_547 = arith.cmpi sgt, %iota3A, %gt3A_546 : vector<16xi32>
      %sign3A_548 = tpu.bitcast %sub3A_544 : vector<16xf32> -> vector<16xi32>
      %sign3A_549 = arith.constant -2147483648 : i32
      %sign3A_550 = vector.broadcast %sign3A_549 : i32 to vector<16xi32>
      %sign3A_551 = arith.andi %sign3A_548, %sign3A_550 : vector<16xi32>
      %sign3A_552 = arith.constant 1065353216 : i32
      %sign3A_553 = vector.broadcast %sign3A_552 : i32 to vector<16xi32>
      %sign3A_554 = arith.ori %sign3A_553, %sign3A_551 : vector<16xi32>
      %sign3A_555 = tpu.bitcast %sign3A_554 : vector<16xi32> -> vector<16xf32>
      %sign3A_556 = math.absf %sub3A_544 : vector<16xf32>
      %sign3A_557 = arith.constant 0.000000e+00 : f32
      %sign3A_558 = vector.broadcast %sign3A_557 : f32 to vector<16xf32>
      %sign3A_559 = arith.cmpf ogt, %sign3A_556, %sign3A_558 : vector<16xf32>
      %sign3A_560 = arith.select %sign3A_559, %sign3A_555, %sub3A_544 : vector<16xi1>, vector<16xf32>
      %jit3A_561 = arith.constant 0.000000e+00 : f32
      %broadcast_in_dim3A_562 = vector.broadcast %jit3A_561 : f32 to vector<16xf32>
      %select_n3A_563 = arith.select %gt3A_547, %sign3A_560, %broadcast_in_dim3A_562 : vector<16xi1>, vector<16xf32>
      %mul3A_564 = arith.mulf %select_n3A_563, %select_n3A_563 : vector<16xf32>
      %sub3A_565 = arith.subf %gather3A_105, %get3A_36 : vector<16xf32>
      %mul3A_566 = arith.mulf %sub3A_565, %select_n3A_563 : vector<16xf32>
      %sub3A_567 = arith.subf %mul3A_564, %mul3A_566 : vector<16xf32>
      %max3A_568 = arith.constant 0.000000e+00 : f32
      %max3A_569 = vector.broadcast %max3A_568 : f32 to vector<16xf32>
      %max3A_570 = arith.maximumf %sub3A_567, %max3A_569 : vector<16xf32>
      %add3A_571 = arith.addf %add3A_542, %max3A_570 : vector<16xf32>
      %add3A_572 = arith.addf %add3A_543, %mul3A_564 : vector<16xf32>
      %sub3A_573 = arith.subf %gather3A_190, %get3A_39 : vector<16xf32>
      %gt3A_574 = arith.constant 13 : i32
      %gt3A_575 = vector.broadcast %gt3A_574 : i32 to vector<16xi32>
      %gt3A_576 = arith.cmpi sgt, %iota3A, %gt3A_575 : vector<16xi32>
      %sign3A_577 = tpu.bitcast %sub3A_573 : vector<16xf32> -> vector<16xi32>
      %sign3A_578 = arith.constant -2147483648 : i32
      %sign3A_579 = vector.broadcast %sign3A_578 : i32 to vector<16xi32>
      %sign3A_580 = arith.andi %sign3A_577, %sign3A_579 : vector<16xi32>
      %sign3A_581 = arith.constant 1065353216 : i32
      %sign3A_582 = vector.broadcast %sign3A_581 : i32 to vector<16xi32>
      %sign3A_583 = arith.ori %sign3A_582, %sign3A_580 : vector<16xi32>
      %sign3A_584 = tpu.bitcast %sign3A_583 : vector<16xi32> -> vector<16xf32>
      %sign3A_585 = math.absf %sub3A_573 : vector<16xf32>
      %sign3A_586 = arith.constant 0.000000e+00 : f32
      %sign3A_587 = vector.broadcast %sign3A_586 : f32 to vector<16xf32>
      %sign3A_588 = arith.cmpf ogt, %sign3A_585, %sign3A_587 : vector<16xf32>
      %sign3A_589 = arith.select %sign3A_588, %sign3A_584, %sub3A_573 : vector<16xi1>, vector<16xf32>
      %jit3A_590 = arith.constant 0.000000e+00 : f32
      %broadcast_in_dim3A_591 = vector.broadcast %jit3A_590 : f32 to vector<16xf32>
      %select_n3A_592 = arith.select %gt3A_576, %sign3A_589, %broadcast_in_dim3A_591 : vector<16xi1>, vector<16xf32>
      %mul3A_593 = arith.mulf %select_n3A_592, %select_n3A_592 : vector<16xf32>
      %sub3A_594 = arith.subf %gather3A_110, %get3A_36 : vector<16xf32>
      %mul3A_595 = arith.mulf %sub3A_594, %select_n3A_592 : vector<16xf32>
      %sub3A_596 = arith.subf %mul3A_593, %mul3A_595 : vector<16xf32>
      %max3A_597 = arith.constant 0.000000e+00 : f32
      %max3A_598 = vector.broadcast %max3A_597 : f32 to vector<16xf32>
      %max3A_599 = arith.maximumf %sub3A_596, %max3A_598 : vector<16xf32>
      %add3A_600 = arith.addf %add3A_571, %max3A_599 : vector<16xf32>
      %add3A_601 = arith.addf %add3A_572, %mul3A_593 : vector<16xf32>
      %sub3A_602 = arith.subf %gather3A_195, %get3A_39 : vector<16xf32>
      %gt3A_603 = arith.constant 14 : i32
      %gt3A_604 = vector.broadcast %gt3A_603 : i32 to vector<16xi32>
      %gt3A_605 = arith.cmpi sgt, %iota3A, %gt3A_604 : vector<16xi32>
      %sign3A_606 = tpu.bitcast %sub3A_602 : vector<16xf32> -> vector<16xi32>
      %sign3A_607 = arith.constant -2147483648 : i32
      %sign3A_608 = vector.broadcast %sign3A_607 : i32 to vector<16xi32>
      %sign3A_609 = arith.andi %sign3A_606, %sign3A_608 : vector<16xi32>
      %sign3A_610 = arith.constant 1065353216 : i32
      %sign3A_611 = vector.broadcast %sign3A_610 : i32 to vector<16xi32>
      %sign3A_612 = arith.ori %sign3A_611, %sign3A_609 : vector<16xi32>
      %sign3A_613 = tpu.bitcast %sign3A_612 : vector<16xi32> -> vector<16xf32>
      %sign3A_614 = math.absf %sub3A_602 : vector<16xf32>
      %sign3A_615 = arith.constant 0.000000e+00 : f32
      %sign3A_616 = vector.broadcast %sign3A_615 : f32 to vector<16xf32>
      %sign3A_617 = arith.cmpf ogt, %sign3A_614, %sign3A_616 : vector<16xf32>
      %sign3A_618 = arith.select %sign3A_617, %sign3A_613, %sub3A_602 : vector<16xi1>, vector<16xf32>
      %jit3A_619 = arith.constant 0.000000e+00 : f32
      %broadcast_in_dim3A_620 = vector.broadcast %jit3A_619 : f32 to vector<16xf32>
      %select_n3A_621 = arith.select %gt3A_605, %sign3A_618, %broadcast_in_dim3A_620 : vector<16xi1>, vector<16xf32>
      %mul3A_622 = arith.mulf %select_n3A_621, %select_n3A_621 : vector<16xf32>
      %sub3A_623 = arith.subf %gather3A_115, %get3A_36 : vector<16xf32>
      %mul3A_624 = arith.mulf %sub3A_623, %select_n3A_621 : vector<16xf32>
      %sub3A_625 = arith.subf %mul3A_622, %mul3A_624 : vector<16xf32>
      %max3A_626 = arith.constant 0.000000e+00 : f32
      %max3A_627 = vector.broadcast %max3A_626 : f32 to vector<16xf32>
      %max3A_628 = arith.maximumf %sub3A_625, %max3A_627 : vector<16xf32>
      %add3A_629 = arith.addf %add3A_600, %max3A_628 : vector<16xf32>
      %add3A_630 = arith.addf %add3A_601, %mul3A_622 : vector<16xf32>
      %sub3A_631 = arith.subf %gather3A_200, %get3A_39 : vector<16xf32>
      %gt3A_632 = arith.constant 15 : i32
      %gt3A_633 = vector.broadcast %gt3A_632 : i32 to vector<16xi32>
      %gt3A_634 = arith.cmpi sgt, %iota3A, %gt3A_633 : vector<16xi32>
      %sign3A_635 = tpu.bitcast %sub3A_631 : vector<16xf32> -> vector<16xi32>
      %sign3A_636 = arith.constant -2147483648 : i32
      %sign3A_637 = vector.broadcast %sign3A_636 : i32 to vector<16xi32>
      %sign3A_638 = arith.andi %sign3A_635, %sign3A_637 : vector<16xi32>
      %sign3A_639 = arith.constant 1065353216 : i32
      %sign3A_640 = vector.broadcast %sign3A_639 : i32 to vector<16xi32>
      %sign3A_641 = arith.ori %sign3A_640, %sign3A_638 : vector<16xi32>
      %sign3A_642 = tpu.bitcast %sign3A_641 : vector<16xi32> -> vector<16xf32>
      %sign3A_643 = math.absf %sub3A_631 : vector<16xf32>
      %sign3A_644 = arith.constant 0.000000e+00 : f32
      %sign3A_645 = vector.broadcast %sign3A_644 : f32 to vector<16xf32>
      %sign3A_646 = arith.cmpf ogt, %sign3A_643, %sign3A_645 : vector<16xf32>
      %sign3A_647 = arith.select %sign3A_646, %sign3A_642, %sub3A_631 : vector<16xi1>, vector<16xf32>
      %jit3A_648 = arith.constant 0.000000e+00 : f32
      %broadcast_in_dim3A_649 = vector.broadcast %jit3A_648 : f32 to vector<16xf32>
      %select_n3A_650 = arith.select %gt3A_634, %sign3A_647, %broadcast_in_dim3A_649 : vector<16xi1>, vector<16xf32>
      %mul3A_651 = arith.mulf %select_n3A_650, %select_n3A_650 : vector<16xf32>
      %sub3A_652 = arith.subf %gather3A_120, %get3A_36 : vector<16xf32>
      %mul3A_653 = arith.mulf %sub3A_652, %select_n3A_650 : vector<16xf32>
      %sub3A_654 = arith.subf %mul3A_651, %mul3A_653 : vector<16xf32>
      %max3A_655 = arith.constant 0.000000e+00 : f32
      %max3A_656 = vector.broadcast %max3A_655 : f32 to vector<16xf32>
      %max3A_657 = arith.maximumf %sub3A_654, %max3A_656 : vector<16xf32>
      %add3A_658 = arith.addf %add3A_629, %max3A_657 : vector<16xf32>
      %add3A_659 = arith.addf %add3A_630, %mul3A_651 : vector<16xf32>
      %add3A_660 = arith.constant 1 : i32
      %add3A_661 = arith.addi %add3A_32, %add3A_660 : i32
      %while3A = arith.constant 256 : i32
      %while3A_662 = arith.subi %while3A, %add3A_661 : i32
      %while3A_663 = arith.addi %add3A_661, %while3A_662 : i32
      %while3A_664 = arith.constant 1 : i32
      %while3A_665 = arith.divsi %while3A_662, %while3A_664 : i32
      %while3A_666 = arith.muli %while3A_665, %while3A_664 : i32
      %while3A_667 = arith.addi %add3A_661, %while3A_666 : i32
      %while3A_668 = arith.constant 1 : i32
      %while3A_669:2 = scf.for %while3A_672 = %add3A_661 to %while3A_667 step %while3A_668 iter_args(%while3A_673 = %add3A_658, %while3A_674 = %add3A_659) -> (vector<16xf32>, vector<16xf32>)  : i32 {
        %mul3A_675 = arith.constant 16 : i32
        %mul3A_676 = arith.muli %while3A_672, %mul3A_675 : i32
        %get3A_677 = arith.index_cast %mul3A_676 : i32 to index
        %get3A_678 = tpu.vector_load %arg5[%get3A_677] {strides = array<i32>} : memref<4096xf32, #tpu.memory_space<vmem>>, vector<16xf32>,
        %get3A_679 = vector.shape_cast %get3A_678 : vector<16xf32> to vector<16xf32>
        %mul3A_680 = arith.constant 16 : i32
        %mul3A_681 = arith.muli %while3A_672, %mul3A_680 : i32
        %get3A_682 = arith.index_cast %mul3A_681 : i32 to index
        %get3A_683 = tpu.vector_load %arg6[%get3A_682] {strides = array<i32>} : memref<4096xf32, #tpu.memory_space<vmem>>, vector<16xf32>,
        %get3A_684 = vector.shape_cast %get3A_683 : vector<16xf32> to vector<16xf32>
        %sub3A_685 = arith.subf %gather3A_125, %get3A_684 : vector<16xf32>
        %sign3A_686 = tpu.bitcast %sub3A_685 : vector<16xf32> -> vector<16xi32>
        %sign3A_687 = arith.constant -2147483648 : i32
        %sign3A_688 = vector.broadcast %sign3A_687 : i32 to vector<16xi32>
        %sign3A_689 = arith.andi %sign3A_686, %sign3A_688 : vector<16xi32>
        %sign3A_690 = arith.constant 1065353216 : i32
        %sign3A_691 = vector.broadcast %sign3A_690 : i32 to vector<16xi32>
        %sign3A_692 = arith.ori %sign3A_691, %sign3A_689 : vector<16xi32>
        %sign3A_693 = tpu.bitcast %sign3A_692 : vector<16xi32> -> vector<16xf32>
        %sign3A_694 = math.absf %sub3A_685 : vector<16xf32>
        %sign3A_695 = arith.constant 0.000000e+00 : f32
        %sign3A_696 = vector.broadcast %sign3A_695 : f32 to vector<16xf32>
        %sign3A_697 = arith.cmpf ogt, %sign3A_694, %sign3A_696 : vector<16xf32>
        %sign3A_698 = arith.select %sign3A_697, %sign3A_693, %sub3A_685 : vector<16xi1>, vector<16xf32>
        %mul3A_699 = arith.mulf %sign3A_698, %sign3A_698 : vector<16xf32>
        %sub3A_700 = arith.subf %gather3A_45, %get3A_679 : vector<16xf32>
        %mul3A_701 = arith.mulf %sub3A_700, %sign3A_698 : vector<16xf32>
        %sub3A_702 = arith.subf %mul3A_699, %mul3A_701 : vector<16xf32>
        %max3A_703 = arith.constant 0.000000e+00 : f32
        %max3A_704 = vector.broadcast %max3A_703 : f32 to vector<16xf32>
        %max3A_705 = arith.maximumf %sub3A_702, %max3A_704 : vector<16xf32>
        %add3A_706 = arith.addf %while3A_673, %max3A_705 : vector<16xf32>
        %add3A_707 = arith.addf %while3A_674, %mul3A_699 : vector<16xf32>
        %sub3A_708 = arith.subf %gather3A_130, %get3A_684 : vector<16xf32>
        %sign3A_709 = tpu.bitcast %sub3A_708 : vector<16xf32> -> vector<16xi32>
        %sign3A_710 = arith.constant -2147483648 : i32
        %sign3A_711 = vector.broadcast %sign3A_710 : i32 to vector<16xi32>
        %sign3A_712 = arith.andi %sign3A_709, %sign3A_711 : vector<16xi32>
        %sign3A_713 = arith.constant 1065353216 : i32
        %sign3A_714 = vector.broadcast %sign3A_713 : i32 to vector<16xi32>
        %sign3A_715 = arith.ori %sign3A_714, %sign3A_712 : vector<16xi32>
        %sign3A_716 = tpu.bitcast %sign3A_715 : vector<16xi32> -> vector<16xf32>
        %sign3A_717 = math.absf %sub3A_708 : vector<16xf32>
        %sign3A_718 = arith.constant 0.000000e+00 : f32
        %sign3A_719 = vector.broadcast %sign3A_718 : f32 to vector<16xf32>
        %sign3A_720 = arith.cmpf ogt, %sign3A_717, %sign3A_719 : vector<16xf32>
        %sign3A_721 = arith.select %sign3A_720, %sign3A_716, %sub3A_708 : vector<16xi1>, vector<16xf32>
        %mul3A_722 = arith.mulf %sign3A_721, %sign3A_721 : vector<16xf32>
        %sub3A_723 = arith.subf %gather3A_50, %get3A_679 : vector<16xf32>
        %mul3A_724 = arith.mulf %sub3A_723, %sign3A_721 : vector<16xf32>
        %sub3A_725 = arith.subf %mul3A_722, %mul3A_724 : vector<16xf32>
        %max3A_726 = arith.constant 0.000000e+00 : f32
        %max3A_727 = vector.broadcast %max3A_726 : f32 to vector<16xf32>
        %max3A_728 = arith.maximumf %sub3A_725, %max3A_727 : vector<16xf32>
        %add3A_729 = arith.addf %add3A_706, %max3A_728 : vector<16xf32>
        %add3A_730 = arith.addf %add3A_707, %mul3A_722 : vector<16xf32>
        %sub3A_731 = arith.subf %gather3A_135, %get3A_684 : vector<16xf32>
        %sign3A_732 = tpu.bitcast %sub3A_731 : vector<16xf32> -> vector<16xi32>
        %sign3A_733 = arith.constant -2147483648 : i32
        %sign3A_734 = vector.broadcast %sign3A_733 : i32 to vector<16xi32>
        %sign3A_735 = arith.andi %sign3A_732, %sign3A_734 : vector<16xi32>
        %sign3A_736 = arith.constant 1065353216 : i32
        %sign3A_737 = vector.broadcast %sign3A_736 : i32 to vector<16xi32>
        %sign3A_738 = arith.ori %sign3A_737, %sign3A_735 : vector<16xi32>
        %sign3A_739 = tpu.bitcast %sign3A_738 : vector<16xi32> -> vector<16xf32>
        %sign3A_740 = math.absf %sub3A_731 : vector<16xf32>
        %sign3A_741 = arith.constant 0.000000e+00 : f32
        %sign3A_742 = vector.broadcast %sign3A_741 : f32 to vector<16xf32>
        %sign3A_743 = arith.cmpf ogt, %sign3A_740, %sign3A_742 : vector<16xf32>
        %sign3A_744 = arith.select %sign3A_743, %sign3A_739, %sub3A_731 : vector<16xi1>, vector<16xf32>
        %mul3A_745 = arith.mulf %sign3A_744, %sign3A_744 : vector<16xf32>
        %sub3A_746 = arith.subf %gather3A_55, %get3A_679 : vector<16xf32>
        %mul3A_747 = arith.mulf %sub3A_746, %sign3A_744 : vector<16xf32>
        %sub3A_748 = arith.subf %mul3A_745, %mul3A_747 : vector<16xf32>
        %max3A_749 = arith.constant 0.000000e+00 : f32
        %max3A_750 = vector.broadcast %max3A_749 : f32 to vector<16xf32>
        %max3A_751 = arith.maximumf %sub3A_748, %max3A_750 : vector<16xf32>
        %add3A_752 = arith.addf %add3A_729, %max3A_751 : vector<16xf32>
        %add3A_753 = arith.addf %add3A_730, %mul3A_745 : vector<16xf32>
        %sub3A_754 = arith.subf %gather3A_140, %get3A_684 : vector<16xf32>
        %sign3A_755 = tpu.bitcast %sub3A_754 : vector<16xf32> -> vector<16xi32>
        %sign3A_756 = arith.constant -2147483648 : i32
        %sign3A_757 = vector.broadcast %sign3A_756 : i32 to vector<16xi32>
        %sign3A_758 = arith.andi %sign3A_755, %sign3A_757 : vector<16xi32>
        %sign3A_759 = arith.constant 1065353216 : i32
        %sign3A_760 = vector.broadcast %sign3A_759 : i32 to vector<16xi32>
        %sign3A_761 = arith.ori %sign3A_760, %sign3A_758 : vector<16xi32>
        %sign3A_762 = tpu.bitcast %sign3A_761 : vector<16xi32> -> vector<16xf32>
        %sign3A_763 = math.absf %sub3A_754 : vector<16xf32>
        %sign3A_764 = arith.constant 0.000000e+00 : f32
        %sign3A_765 = vector.broadcast %sign3A_764 : f32 to vector<16xf32>
        %sign3A_766 = arith.cmpf ogt, %sign3A_763, %sign3A_765 : vector<16xf32>
        %sign3A_767 = arith.select %sign3A_766, %sign3A_762, %sub3A_754 : vector<16xi1>, vector<16xf32>
        %mul3A_768 = arith.mulf %sign3A_767, %sign3A_767 : vector<16xf32>
        %sub3A_769 = arith.subf %gather3A_60, %get3A_679 : vector<16xf32>
        %mul3A_770 = arith.mulf %sub3A_769, %sign3A_767 : vector<16xf32>
        %sub3A_771 = arith.subf %mul3A_768, %mul3A_770 : vector<16xf32>
        %max3A_772 = arith.constant 0.000000e+00 : f32
        %max3A_773 = vector.broadcast %max3A_772 : f32 to vector<16xf32>
        %max3A_774 = arith.maximumf %sub3A_771, %max3A_773 : vector<16xf32>
        %add3A_775 = arith.addf %add3A_752, %max3A_774 : vector<16xf32>
        %add3A_776 = arith.addf %add3A_753, %mul3A_768 : vector<16xf32>
        %sub3A_777 = arith.subf %gather3A_145, %get3A_684 : vector<16xf32>
        %sign3A_778 = tpu.bitcast %sub3A_777 : vector<16xf32> -> vector<16xi32>
        %sign3A_779 = arith.constant -2147483648 : i32
        %sign3A_780 = vector.broadcast %sign3A_779 : i32 to vector<16xi32>
        %sign3A_781 = arith.andi %sign3A_778, %sign3A_780 : vector<16xi32>
        %sign3A_782 = arith.constant 1065353216 : i32
        %sign3A_783 = vector.broadcast %sign3A_782 : i32 to vector<16xi32>
        %sign3A_784 = arith.ori %sign3A_783, %sign3A_781 : vector<16xi32>
        %sign3A_785 = tpu.bitcast %sign3A_784 : vector<16xi32> -> vector<16xf32>
        %sign3A_786 = math.absf %sub3A_777 : vector<16xf32>
        %sign3A_787 = arith.constant 0.000000e+00 : f32
        %sign3A_788 = vector.broadcast %sign3A_787 : f32 to vector<16xf32>
        %sign3A_789 = arith.cmpf ogt, %sign3A_786, %sign3A_788 : vector<16xf32>
        %sign3A_790 = arith.select %sign3A_789, %sign3A_785, %sub3A_777 : vector<16xi1>, vector<16xf32>
        %mul3A_791 = arith.mulf %sign3A_790, %sign3A_790 : vector<16xf32>
        %sub3A_792 = arith.subf %gather3A_65, %get3A_679 : vector<16xf32>
        %mul3A_793 = arith.mulf %sub3A_792, %sign3A_790 : vector<16xf32>
        %sub3A_794 = arith.subf %mul3A_791, %mul3A_793 : vector<16xf32>
        %max3A_795 = arith.constant 0.000000e+00 : f32
        %max3A_796 = vector.broadcast %max3A_795 : f32 to vector<16xf32>
        %max3A_797 = arith.maximumf %sub3A_794, %max3A_796 : vector<16xf32>
        %add3A_798 = arith.addf %add3A_775, %max3A_797 : vector<16xf32>
        %add3A_799 = arith.addf %add3A_776, %mul3A_791 : vector<16xf32>
        %sub3A_800 = arith.subf %gather3A_150, %get3A_684 : vector<16xf32>
        %sign3A_801 = tpu.bitcast %sub3A_800 : vector<16xf32> -> vector<16xi32>
        %sign3A_802 = arith.constant -2147483648 : i32
        %sign3A_803 = vector.broadcast %sign3A_802 : i32 to vector<16xi32>
        %sign3A_804 = arith.andi %sign3A_801, %sign3A_803 : vector<16xi32>
        %sign3A_805 = arith.constant 1065353216 : i32
        %sign3A_806 = vector.broadcast %sign3A_805 : i32 to vector<16xi32>
        %sign3A_807 = arith.ori %sign3A_806, %sign3A_804 : vector<16xi32>
        %sign3A_808 = tpu.bitcast %sign3A_807 : vector<16xi32> -> vector<16xf32>
        %sign3A_809 = math.absf %sub3A_800 : vector<16xf32>
        %sign3A_810 = arith.constant 0.000000e+00 : f32
        %sign3A_811 = vector.broadcast %sign3A_810 : f32 to vector<16xf32>
        %sign3A_812 = arith.cmpf ogt, %sign3A_809, %sign3A_811 : vector<16xf32>
        %sign3A_813 = arith.select %sign3A_812, %sign3A_808, %sub3A_800 : vector<16xi1>, vector<16xf32>
        %mul3A_814 = arith.mulf %sign3A_813, %sign3A_813 : vector<16xf32>
        %sub3A_815 = arith.subf %gather3A_70, %get3A_679 : vector<16xf32>
        %mul3A_816 = arith.mulf %sub3A_815, %sign3A_813 : vector<16xf32>
        %sub3A_817 = arith.subf %mul3A_814, %mul3A_816 : vector<16xf32>
        %max3A_818 = arith.constant 0.000000e+00 : f32
        %max3A_819 = vector.broadcast %max3A_818 : f32 to vector<16xf32>
        %max3A_820 = arith.maximumf %sub3A_817, %max3A_819 : vector<16xf32>
        %add3A_821 = arith.addf %add3A_798, %max3A_820 : vector<16xf32>
        %add3A_822 = arith.addf %add3A_799, %mul3A_814 : vector<16xf32>
        %sub3A_823 = arith.subf %gather3A_155, %get3A_684 : vector<16xf32>
        %sign3A_824 = tpu.bitcast %sub3A_823 : vector<16xf32> -> vector<16xi32>
        %sign3A_825 = arith.constant -2147483648 : i32
        %sign3A_826 = vector.broadcast %sign3A_825 : i32 to vector<16xi32>
        %sign3A_827 = arith.andi %sign3A_824, %sign3A_826 : vector<16xi32>
        %sign3A_828 = arith.constant 1065353216 : i32
        %sign3A_829 = vector.broadcast %sign3A_828 : i32 to vector<16xi32>
        %sign3A_830 = arith.ori %sign3A_829, %sign3A_827 : vector<16xi32>
        %sign3A_831 = tpu.bitcast %sign3A_830 : vector<16xi32> -> vector<16xf32>
        %sign3A_832 = math.absf %sub3A_823 : vector<16xf32>
        %sign3A_833 = arith.constant 0.000000e+00 : f32
        %sign3A_834 = vector.broadcast %sign3A_833 : f32 to vector<16xf32>
        %sign3A_835 = arith.cmpf ogt, %sign3A_832, %sign3A_834 : vector<16xf32>
        %sign3A_836 = arith.select %sign3A_835, %sign3A_831, %sub3A_823 : vector<16xi1>, vector<16xf32>
        %mul3A_837 = arith.mulf %sign3A_836, %sign3A_836 : vector<16xf32>
        %sub3A_838 = arith.subf %gather3A_75, %get3A_679 : vector<16xf32>
        %mul3A_839 = arith.mulf %sub3A_838, %sign3A_836 : vector<16xf32>
        %sub3A_840 = arith.subf %mul3A_837, %mul3A_839 : vector<16xf32>
        %max3A_841 = arith.constant 0.000000e+00 : f32
        %max3A_842 = vector.broadcast %max3A_841 : f32 to vector<16xf32>
        %max3A_843 = arith.maximumf %sub3A_840, %max3A_842 : vector<16xf32>
        %add3A_844 = arith.addf %add3A_821, %max3A_843 : vector<16xf32>
        %add3A_845 = arith.addf %add3A_822, %mul3A_837 : vector<16xf32>
        %sub3A_846 = arith.subf %gather3A_160, %get3A_684 : vector<16xf32>
        %sign3A_847 = tpu.bitcast %sub3A_846 : vector<16xf32> -> vector<16xi32>
        %sign3A_848 = arith.constant -2147483648 : i32
        %sign3A_849 = vector.broadcast %sign3A_848 : i32 to vector<16xi32>
        %sign3A_850 = arith.andi %sign3A_847, %sign3A_849 : vector<16xi32>
        %sign3A_851 = arith.constant 1065353216 : i32
        %sign3A_852 = vector.broadcast %sign3A_851 : i32 to vector<16xi32>
        %sign3A_853 = arith.ori %sign3A_852, %sign3A_850 : vector<16xi32>
        %sign3A_854 = tpu.bitcast %sign3A_853 : vector<16xi32> -> vector<16xf32>
        %sign3A_855 = math.absf %sub3A_846 : vector<16xf32>
        %sign3A_856 = arith.constant 0.000000e+00 : f32
        %sign3A_857 = vector.broadcast %sign3A_856 : f32 to vector<16xf32>
        %sign3A_858 = arith.cmpf ogt, %sign3A_855, %sign3A_857 : vector<16xf32>
        %sign3A_859 = arith.select %sign3A_858, %sign3A_854, %sub3A_846 : vector<16xi1>, vector<16xf32>
        %mul3A_860 = arith.mulf %sign3A_859, %sign3A_859 : vector<16xf32>
        %sub3A_861 = arith.subf %gather3A_80, %get3A_679 : vector<16xf32>
        %mul3A_862 = arith.mulf %sub3A_861, %sign3A_859 : vector<16xf32>
        %sub3A_863 = arith.subf %mul3A_860, %mul3A_862 : vector<16xf32>
        %max3A_864 = arith.constant 0.000000e+00 : f32
        %max3A_865 = vector.broadcast %max3A_864 : f32 to vector<16xf32>
        %max3A_866 = arith.maximumf %sub3A_863, %max3A_865 : vector<16xf32>
        %add3A_867 = arith.addf %add3A_844, %max3A_866 : vector<16xf32>
        %add3A_868 = arith.addf %add3A_845, %mul3A_860 : vector<16xf32>
        %sub3A_869 = arith.subf %gather3A_165, %get3A_684 : vector<16xf32>
        %sign3A_870 = tpu.bitcast %sub3A_869 : vector<16xf32> -> vector<16xi32>
        %sign3A_871 = arith.constant -2147483648 : i32
        %sign3A_872 = vector.broadcast %sign3A_871 : i32 to vector<16xi32>
        %sign3A_873 = arith.andi %sign3A_870, %sign3A_872 : vector<16xi32>
        %sign3A_874 = arith.constant 1065353216 : i32
        %sign3A_875 = vector.broadcast %sign3A_874 : i32 to vector<16xi32>
        %sign3A_876 = arith.ori %sign3A_875, %sign3A_873 : vector<16xi32>
        %sign3A_877 = tpu.bitcast %sign3A_876 : vector<16xi32> -> vector<16xf32>
        %sign3A_878 = math.absf %sub3A_869 : vector<16xf32>
        %sign3A_879 = arith.constant 0.000000e+00 : f32
        %sign3A_880 = vector.broadcast %sign3A_879 : f32 to vector<16xf32>
        %sign3A_881 = arith.cmpf ogt, %sign3A_878, %sign3A_880 : vector<16xf32>
        %sign3A_882 = arith.select %sign3A_881, %sign3A_877, %sub3A_869 : vector<16xi1>, vector<16xf32>
        %mul3A_883 = arith.mulf %sign3A_882, %sign3A_882 : vector<16xf32>
        %sub3A_884 = arith.subf %gather3A_85, %get3A_679 : vector<16xf32>
        %mul3A_885 = arith.mulf %sub3A_884, %sign3A_882 : vector<16xf32>
        %sub3A_886 = arith.subf %mul3A_883, %mul3A_885 : vector<16xf32>
        %max3A_887 = arith.constant 0.000000e+00 : f32
        %max3A_888 = vector.broadcast %max3A_887 : f32 to vector<16xf32>
        %max3A_889 = arith.maximumf %sub3A_886, %max3A_888 : vector<16xf32>
        %add3A_890 = arith.addf %add3A_867, %max3A_889 : vector<16xf32>
        %add3A_891 = arith.addf %add3A_868, %mul3A_883 : vector<16xf32>
        %sub3A_892 = arith.subf %gather3A_170, %get3A_684 : vector<16xf32>
        %sign3A_893 = tpu.bitcast %sub3A_892 : vector<16xf32> -> vector<16xi32>
        %sign3A_894 = arith.constant -2147483648 : i32
        %sign3A_895 = vector.broadcast %sign3A_894 : i32 to vector<16xi32>
        %sign3A_896 = arith.andi %sign3A_893, %sign3A_895 : vector<16xi32>
        %sign3A_897 = arith.constant 1065353216 : i32
        %sign3A_898 = vector.broadcast %sign3A_897 : i32 to vector<16xi32>
        %sign3A_899 = arith.ori %sign3A_898, %sign3A_896 : vector<16xi32>
        %sign3A_900 = tpu.bitcast %sign3A_899 : vector<16xi32> -> vector<16xf32>
        %sign3A_901 = math.absf %sub3A_892 : vector<16xf32>
        %sign3A_902 = arith.constant 0.000000e+00 : f32
        %sign3A_903 = vector.broadcast %sign3A_902 : f32 to vector<16xf32>
        %sign3A_904 = arith.cmpf ogt, %sign3A_901, %sign3A_903 : vector<16xf32>
        %sign3A_905 = arith.select %sign3A_904, %sign3A_900, %sub3A_892 : vector<16xi1>, vector<16xf32>
        %mul3A_906 = arith.mulf %sign3A_905, %sign3A_905 : vector<16xf32>
        %sub3A_907 = arith.subf %gather3A_90, %get3A_679 : vector<16xf32>
        %mul3A_908 = arith.mulf %sub3A_907, %sign3A_905 : vector<16xf32>
        %sub3A_909 = arith.subf %mul3A_906, %mul3A_908 : vector<16xf32>
        %max3A_910 = arith.constant 0.000000e+00 : f32
        %max3A_911 = vector.broadcast %max3A_910 : f32 to vector<16xf32>
        %max3A_912 = arith.maximumf %sub3A_909, %max3A_911 : vector<16xf32>
        %add3A_913 = arith.addf %add3A_890, %max3A_912 : vector<16xf32>
        %add3A_914 = arith.addf %add3A_891, %mul3A_906 : vector<16xf32>
        %sub3A_915 = arith.subf %gather3A_175, %get3A_684 : vector<16xf32>
        %sign3A_916 = tpu.bitcast %sub3A_915 : vector<16xf32> -> vector<16xi32>
        %sign3A_917 = arith.constant -2147483648 : i32
        %sign3A_918 = vector.broadcast %sign3A_917 : i32 to vector<16xi32>
        %sign3A_919 = arith.andi %sign3A_916, %sign3A_918 : vector<16xi32>
        %sign3A_920 = arith.constant 1065353216 : i32
        %sign3A_921 = vector.broadcast %sign3A_920 : i32 to vector<16xi32>
        %sign3A_922 = arith.ori %sign3A_921, %sign3A_919 : vector<16xi32>
        %sign3A_923 = tpu.bitcast %sign3A_922 : vector<16xi32> -> vector<16xf32>
        %sign3A_924 = math.absf %sub3A_915 : vector<16xf32>
        %sign3A_925 = arith.constant 0.000000e+00 : f32
        %sign3A_926 = vector.broadcast %sign3A_925 : f32 to vector<16xf32>
        %sign3A_927 = arith.cmpf ogt, %sign3A_924, %sign3A_926 : vector<16xf32>
        %sign3A_928 = arith.select %sign3A_927, %sign3A_923, %sub3A_915 : vector<16xi1>, vector<16xf32>
        %mul3A_929 = arith.mulf %sign3A_928, %sign3A_928 : vector<16xf32>
        %sub3A_930 = arith.subf %gather3A_95, %get3A_679 : vector<16xf32>
        %mul3A_931 = arith.mulf %sub3A_930, %sign3A_928 : vector<16xf32>
        %sub3A_932 = arith.subf %mul3A_929, %mul3A_931 : vector<16xf32>
        %max3A_933 = arith.constant 0.000000e+00 : f32
        %max3A_934 = vector.broadcast %max3A_933 : f32 to vector<16xf32>
        %max3A_935 = arith.maximumf %sub3A_932, %max3A_934 : vector<16xf32>
        %add3A_936 = arith.addf %add3A_913, %max3A_935 : vector<16xf32>
        %add3A_937 = arith.addf %add3A_914, %mul3A_929 : vector<16xf32>
        %sub3A_938 = arith.subf %gather3A_180, %get3A_684 : vector<16xf32>
        %sign3A_939 = tpu.bitcast %sub3A_938 : vector<16xf32> -> vector<16xi32>
        %sign3A_940 = arith.constant -2147483648 : i32
        %sign3A_941 = vector.broadcast %sign3A_940 : i32 to vector<16xi32>
        %sign3A_942 = arith.andi %sign3A_939, %sign3A_941 : vector<16xi32>
        %sign3A_943 = arith.constant 1065353216 : i32
        %sign3A_944 = vector.broadcast %sign3A_943 : i32 to vector<16xi32>
        %sign3A_945 = arith.ori %sign3A_944, %sign3A_942 : vector<16xi32>
        %sign3A_946 = tpu.bitcast %sign3A_945 : vector<16xi32> -> vector<16xf32>
        %sign3A_947 = math.absf %sub3A_938 : vector<16xf32>
        %sign3A_948 = arith.constant 0.000000e+00 : f32
        %sign3A_949 = vector.broadcast %sign3A_948 : f32 to vector<16xf32>
        %sign3A_950 = arith.cmpf ogt, %sign3A_947, %sign3A_949 : vector<16xf32>
        %sign3A_951 = arith.select %sign3A_950, %sign3A_946, %sub3A_938 : vector<16xi1>, vector<16xf32>
        %mul3A_952 = arith.mulf %sign3A_951, %sign3A_951 : vector<16xf32>
        %sub3A_953 = arith.subf %gather3A_100, %get3A_679 : vector<16xf32>
        %mul3A_954 = arith.mulf %sub3A_953, %sign3A_951 : vector<16xf32>
        %sub3A_955 = arith.subf %mul3A_952, %mul3A_954 : vector<16xf32>
        %max3A_956 = arith.constant 0.000000e+00 : f32
        %max3A_957 = vector.broadcast %max3A_956 : f32 to vector<16xf32>
        %max3A_958 = arith.maximumf %sub3A_955, %max3A_957 : vector<16xf32>
        %add3A_959 = arith.addf %add3A_936, %max3A_958 : vector<16xf32>
        %add3A_960 = arith.addf %add3A_937, %mul3A_952 : vector<16xf32>
        %sub3A_961 = arith.subf %gather3A_185, %get3A_684 : vector<16xf32>
        %sign3A_962 = tpu.bitcast %sub3A_961 : vector<16xf32> -> vector<16xi32>
        %sign3A_963 = arith.constant -2147483648 : i32
        %sign3A_964 = vector.broadcast %sign3A_963 : i32 to vector<16xi32>
        %sign3A_965 = arith.andi %sign3A_962, %sign3A_964 : vector<16xi32>
        %sign3A_966 = arith.constant 1065353216 : i32
        %sign3A_967 = vector.broadcast %sign3A_966 : i32 to vector<16xi32>
        %sign3A_968 = arith.ori %sign3A_967, %sign3A_965 : vector<16xi32>
        %sign3A_969 = tpu.bitcast %sign3A_968 : vector<16xi32> -> vector<16xf32>
        %sign3A_970 = math.absf %sub3A_961 : vector<16xf32>
        %sign3A_971 = arith.constant 0.000000e+00 : f32
        %sign3A_972 = vector.broadcast %sign3A_971 : f32 to vector<16xf32>
        %sign3A_973 = arith.cmpf ogt, %sign3A_970, %sign3A_972 : vector<16xf32>
        %sign3A_974 = arith.select %sign3A_973, %sign3A_969, %sub3A_961 : vector<16xi1>, vector<16xf32>
        %mul3A_975 = arith.mulf %sign3A_974, %sign3A_974 : vector<16xf32>
        %sub3A_976 = arith.subf %gather3A_105, %get3A_679 : vector<16xf32>
        %mul3A_977 = arith.mulf %sub3A_976, %sign3A_974 : vector<16xf32>
        %sub3A_978 = arith.subf %mul3A_975, %mul3A_977 : vector<16xf32>
        %max3A_979 = arith.constant 0.000000e+00 : f32
        %max3A_980 = vector.broadcast %max3A_979 : f32 to vector<16xf32>
        %max3A_981 = arith.maximumf %sub3A_978, %max3A_980 : vector<16xf32>
        %add3A_982 = arith.addf %add3A_959, %max3A_981 : vector<16xf32>
        %add3A_983 = arith.addf %add3A_960, %mul3A_975 : vector<16xf32>
        %sub3A_984 = arith.subf %gather3A_190, %get3A_684 : vector<16xf32>
        %sign3A_985 = tpu.bitcast %sub3A_984 : vector<16xf32> -> vector<16xi32>
        %sign3A_986 = arith.constant -2147483648 : i32
        %sign3A_987 = vector.broadcast %sign3A_986 : i32 to vector<16xi32>
        %sign3A_988 = arith.andi %sign3A_985, %sign3A_987 : vector<16xi32>
        %sign3A_989 = arith.constant 1065353216 : i32
        %sign3A_990 = vector.broadcast %sign3A_989 : i32 to vector<16xi32>
        %sign3A_991 = arith.ori %sign3A_990, %sign3A_988 : vector<16xi32>
        %sign3A_992 = tpu.bitcast %sign3A_991 : vector<16xi32> -> vector<16xf32>
        %sign3A_993 = math.absf %sub3A_984 : vector<16xf32>
        %sign3A_994 = arith.constant 0.000000e+00 : f32
        %sign3A_995 = vector.broadcast %sign3A_994 : f32 to vector<16xf32>
        %sign3A_996 = arith.cmpf ogt, %sign3A_993, %sign3A_995 : vector<16xf32>
        %sign3A_997 = arith.select %sign3A_996, %sign3A_992, %sub3A_984 : vector<16xi1>, vector<16xf32>
        %mul3A_998 = arith.mulf %sign3A_997, %sign3A_997 : vector<16xf32>
        %sub3A_999 = arith.subf %gather3A_110, %get3A_679 : vector<16xf32>
        %mul3A_1000 = arith.mulf %sub3A_999, %sign3A_997 : vector<16xf32>
        %sub3A_1001 = arith.subf %mul3A_998, %mul3A_1000 : vector<16xf32>
        %max3A_1002 = arith.constant 0.000000e+00 : f32
        %max3A_1003 = vector.broadcast %max3A_1002 : f32 to vector<16xf32>
        %max3A_1004 = arith.maximumf %sub3A_1001, %max3A_1003 : vector<16xf32>
        %add3A_1005 = arith.addf %add3A_982, %max3A_1004 : vector<16xf32>
        %add3A_1006 = arith.addf %add3A_983, %mul3A_998 : vector<16xf32>
        %sub3A_1007 = arith.subf %gather3A_195, %get3A_684 : vector<16xf32>
        %sign3A_1008 = tpu.bitcast %sub3A_1007 : vector<16xf32> -> vector<16xi32>
        %sign3A_1009 = arith.constant -2147483648 : i32
        %sign3A_1010 = vector.broadcast %sign3A_1009 : i32 to vector<16xi32>
        %sign3A_1011 = arith.andi %sign3A_1008, %sign3A_1010 : vector<16xi32>
        %sign3A_1012 = arith.constant 1065353216 : i32
        %sign3A_1013 = vector.broadcast %sign3A_1012 : i32 to vector<16xi32>
        %sign3A_1014 = arith.ori %sign3A_1013, %sign3A_1011 : vector<16xi32>
        %sign3A_1015 = tpu.bitcast %sign3A_1014 : vector<16xi32> -> vector<16xf32>
        %sign3A_1016 = math.absf %sub3A_1007 : vector<16xf32>
        %sign3A_1017 = arith.constant 0.000000e+00 : f32
        %sign3A_1018 = vector.broadcast %sign3A_1017 : f32 to vector<16xf32>
        %sign3A_1019 = arith.cmpf ogt, %sign3A_1016, %sign3A_1018 : vector<16xf32>
        %sign3A_1020 = arith.select %sign3A_1019, %sign3A_1015, %sub3A_1007 : vector<16xi1>, vector<16xf32>
        %mul3A_1021 = arith.mulf %sign3A_1020, %sign3A_1020 : vector<16xf32>
        %sub3A_1022 = arith.subf %gather3A_115, %get3A_679 : vector<16xf32>
        %mul3A_1023 = arith.mulf %sub3A_1022, %sign3A_1020 : vector<16xf32>
        %sub3A_1024 = arith.subf %mul3A_1021, %mul3A_1023 : vector<16xf32>
        %max3A_1025 = arith.constant 0.000000e+00 : f32
        %max3A_1026 = vector.broadcast %max3A_1025 : f32 to vector<16xf32>
        %max3A_1027 = arith.maximumf %sub3A_1024, %max3A_1026 : vector<16xf32>
        %add3A_1028 = arith.addf %add3A_1005, %max3A_1027 : vector<16xf32>
        %add3A_1029 = arith.addf %add3A_1006, %mul3A_1021 : vector<16xf32>
        %sub3A_1030 = arith.subf %gather3A_200, %get3A_684 : vector<16xf32>
        %sign3A_1031 = tpu.bitcast %sub3A_1030 : vector<16xf32> -> vector<16xi32>
        %sign3A_1032 = arith.constant -2147483648 : i32
        %sign3A_1033 = vector.broadcast %sign3A_1032 : i32 to vector<16xi32>
        %sign3A_1034 = arith.andi %sign3A_1031, %sign3A_1033 : vector<16xi32>
        %sign3A_1035 = arith.constant 1065353216 : i32
        %sign3A_1036 = vector.broadcast %sign3A_1035 : i32 to vector<16xi32>
        %sign3A_1037 = arith.ori %sign3A_1036, %sign3A_1034 : vector<16xi32>
        %sign3A_1038 = tpu.bitcast %sign3A_1037 : vector<16xi32> -> vector<16xf32>
        %sign3A_1039 = math.absf %sub3A_1030 : vector<16xf32>
        %sign3A_1040 = arith.constant 0.000000e+00 : f32
        %sign3A_1041 = vector.broadcast %sign3A_1040 : f32 to vector<16xf32>
        %sign3A_1042 = arith.cmpf ogt, %sign3A_1039, %sign3A_1041 : vector<16xf32>
        %sign3A_1043 = arith.select %sign3A_1042, %sign3A_1038, %sub3A_1030 : vector<16xi1>, vector<16xf32>
        %mul3A_1044 = arith.mulf %sign3A_1043, %sign3A_1043 : vector<16xf32>
        %sub3A_1045 = arith.subf %gather3A_120, %get3A_679 : vector<16xf32>
        %mul3A_1046 = arith.mulf %sub3A_1045, %sign3A_1043 : vector<16xf32>
        %sub3A_1047 = arith.subf %mul3A_1044, %mul3A_1046 : vector<16xf32>
        %max3A_1048 = arith.constant 0.000000e+00 : f32
        %max3A_1049 = vector.broadcast %max3A_1048 : f32 to vector<16xf32>
        %max3A_1050 = arith.maximumf %sub3A_1047, %max3A_1049 : vector<16xf32>
        %add3A_1051 = arith.addf %add3A_1028, %max3A_1050 : vector<16xf32>
        %add3A_1052 = arith.addf %add3A_1029, %mul3A_1044 : vector<16xf32>
        scf.yield %add3A_1051, %add3A_1052 : vector<16xf32>, vector<16xf32>
      }
      %while3A_670 = arith.constant 1 : i32
      %while3A_671:2 = scf.for %while3A_672 = %while3A_667 to %while3A_663 step %while3A_670 iter_args(%while3A_673 = %while3A_669#0, %while3A_674 = %while3A_669#1) -> (vector<16xf32>, vector<16xf32>)  : i32 {
        %mul3A_675 = arith.constant 16 : i32
        %mul3A_676 = arith.muli %while3A_672, %mul3A_675 : i32
        %get3A_677 = arith.index_cast %mul3A_676 : i32 to index
        %get3A_678 = tpu.vector_load %arg5[%get3A_677] {strides = array<i32>} : memref<4096xf32, #tpu.memory_space<vmem>>, vector<16xf32>,
        %get3A_679 = vector.shape_cast %get3A_678 : vector<16xf32> to vector<16xf32>
        %mul3A_680 = arith.constant 16 : i32
        %mul3A_681 = arith.muli %while3A_672, %mul3A_680 : i32
        %get3A_682 = arith.index_cast %mul3A_681 : i32 to index
        %get3A_683 = tpu.vector_load %arg6[%get3A_682] {strides = array<i32>} : memref<4096xf32, #tpu.memory_space<vmem>>, vector<16xf32>,
        %get3A_684 = vector.shape_cast %get3A_683 : vector<16xf32> to vector<16xf32>
        %sub3A_685 = arith.subf %gather3A_125, %get3A_684 : vector<16xf32>
        %sign3A_686 = tpu.bitcast %sub3A_685 : vector<16xf32> -> vector<16xi32>
        %sign3A_687 = arith.constant -2147483648 : i32
        %sign3A_688 = vector.broadcast %sign3A_687 : i32 to vector<16xi32>
        %sign3A_689 = arith.andi %sign3A_686, %sign3A_688 : vector<16xi32>
        %sign3A_690 = arith.constant 1065353216 : i32
        %sign3A_691 = vector.broadcast %sign3A_690 : i32 to vector<16xi32>
        %sign3A_692 = arith.ori %sign3A_691, %sign3A_689 : vector<16xi32>
        %sign3A_693 = tpu.bitcast %sign3A_692 : vector<16xi32> -> vector<16xf32>
        %sign3A_694 = math.absf %sub3A_685 : vector<16xf32>
        %sign3A_695 = arith.constant 0.000000e+00 : f32
        %sign3A_696 = vector.broadcast %sign3A_695 : f32 to vector<16xf32>
        %sign3A_697 = arith.cmpf ogt, %sign3A_694, %sign3A_696 : vector<16xf32>
        %sign3A_698 = arith.select %sign3A_697, %sign3A_693, %sub3A_685 : vector<16xi1>, vector<16xf32>
        %mul3A_699 = arith.mulf %sign3A_698, %sign3A_698 : vector<16xf32>
        %sub3A_700 = arith.subf %gather3A_45, %get3A_679 : vector<16xf32>
        %mul3A_701 = arith.mulf %sub3A_700, %sign3A_698 : vector<16xf32>
        %sub3A_702 = arith.subf %mul3A_699, %mul3A_701 : vector<16xf32>
        %max3A_703 = arith.constant 0.000000e+00 : f32
        %max3A_704 = vector.broadcast %max3A_703 : f32 to vector<16xf32>
        %max3A_705 = arith.maximumf %sub3A_702, %max3A_704 : vector<16xf32>
        %add3A_706 = arith.addf %while3A_673, %max3A_705 : vector<16xf32>
        %add3A_707 = arith.addf %while3A_674, %mul3A_699 : vector<16xf32>
        %sub3A_708 = arith.subf %gather3A_130, %get3A_684 : vector<16xf32>
        %sign3A_709 = tpu.bitcast %sub3A_708 : vector<16xf32> -> vector<16xi32>
        %sign3A_710 = arith.constant -2147483648 : i32
        %sign3A_711 = vector.broadcast %sign3A_710 : i32 to vector<16xi32>
        %sign3A_712 = arith.andi %sign3A_709, %sign3A_711 : vector<16xi32>
        %sign3A_713 = arith.constant 1065353216 : i32
        %sign3A_714 = vector.broadcast %sign3A_713 : i32 to vector<16xi32>
        %sign3A_715 = arith.ori %sign3A_714, %sign3A_712 : vector<16xi32>
        %sign3A_716 = tpu.bitcast %sign3A_715 : vector<16xi32> -> vector<16xf32>
        %sign3A_717 = math.absf %sub3A_708 : vector<16xf32>
        %sign3A_718 = arith.constant 0.000000e+00 : f32
        %sign3A_719 = vector.broadcast %sign3A_718 : f32 to vector<16xf32>
        %sign3A_720 = arith.cmpf ogt, %sign3A_717, %sign3A_719 : vector<16xf32>
        %sign3A_721 = arith.select %sign3A_720, %sign3A_716, %sub3A_708 : vector<16xi1>, vector<16xf32>
        %mul3A_722 = arith.mulf %sign3A_721, %sign3A_721 : vector<16xf32>
        %sub3A_723 = arith.subf %gather3A_50, %get3A_679 : vector<16xf32>
        %mul3A_724 = arith.mulf %sub3A_723, %sign3A_721 : vector<16xf32>
        %sub3A_725 = arith.subf %mul3A_722, %mul3A_724 : vector<16xf32>
        %max3A_726 = arith.constant 0.000000e+00 : f32
        %max3A_727 = vector.broadcast %max3A_726 : f32 to vector<16xf32>
        %max3A_728 = arith.maximumf %sub3A_725, %max3A_727 : vector<16xf32>
        %add3A_729 = arith.addf %add3A_706, %max3A_728 : vector<16xf32>
        %add3A_730 = arith.addf %add3A_707, %mul3A_722 : vector<16xf32>
        %sub3A_731 = arith.subf %gather3A_135, %get3A_684 : vector<16xf32>
        %sign3A_732 = tpu.bitcast %sub3A_731 : vector<16xf32> -> vector<16xi32>
        %sign3A_733 = arith.constant -2147483648 : i32
        %sign3A_734 = vector.broadcast %sign3A_733 : i32 to vector<16xi32>
        %sign3A_735 = arith.andi %sign3A_732, %sign3A_734 : vector<16xi32>
        %sign3A_736 = arith.constant 1065353216 : i32
        %sign3A_737 = vector.broadcast %sign3A_736 : i32 to vector<16xi32>
        %sign3A_738 = arith.ori %sign3A_737, %sign3A_735 : vector<16xi32>
        %sign3A_739 = tpu.bitcast %sign3A_738 : vector<16xi32> -> vector<16xf32>
        %sign3A_740 = math.absf %sub3A_731 : vector<16xf32>
        %sign3A_741 = arith.constant 0.000000e+00 : f32
        %sign3A_742 = vector.broadcast %sign3A_741 : f32 to vector<16xf32>
        %sign3A_743 = arith.cmpf ogt, %sign3A_740, %sign3A_742 : vector<16xf32>
        %sign3A_744 = arith.select %sign3A_743, %sign3A_739, %sub3A_731 : vector<16xi1>, vector<16xf32>
        %mul3A_745 = arith.mulf %sign3A_744, %sign3A_744 : vector<16xf32>
        %sub3A_746 = arith.subf %gather3A_55, %get3A_679 : vector<16xf32>
        %mul3A_747 = arith.mulf %sub3A_746, %sign3A_744 : vector<16xf32>
        %sub3A_748 = arith.subf %mul3A_745, %mul3A_747 : vector<16xf32>
        %max3A_749 = arith.constant 0.000000e+00 : f32
        %max3A_750 = vector.broadcast %max3A_749 : f32 to vector<16xf32>
        %max3A_751 = arith.maximumf %sub3A_748, %max3A_750 : vector<16xf32>
        %add3A_752 = arith.addf %add3A_729, %max3A_751 : vector<16xf32>
        %add3A_753 = arith.addf %add3A_730, %mul3A_745 : vector<16xf32>
        %sub3A_754 = arith.subf %gather3A_140, %get3A_684 : vector<16xf32>
        %sign3A_755 = tpu.bitcast %sub3A_754 : vector<16xf32> -> vector<16xi32>
        %sign3A_756 = arith.constant -2147483648 : i32
        %sign3A_757 = vector.broadcast %sign3A_756 : i32 to vector<16xi32>
        %sign3A_758 = arith.andi %sign3A_755, %sign3A_757 : vector<16xi32>
        %sign3A_759 = arith.constant 1065353216 : i32
        %sign3A_760 = vector.broadcast %sign3A_759 : i32 to vector<16xi32>
        %sign3A_761 = arith.ori %sign3A_760, %sign3A_758 : vector<16xi32>
        %sign3A_762 = tpu.bitcast %sign3A_761 : vector<16xi32> -> vector<16xf32>
        %sign3A_763 = math.absf %sub3A_754 : vector<16xf32>
        %sign3A_764 = arith.constant 0.000000e+00 : f32
        %sign3A_765 = vector.broadcast %sign3A_764 : f32 to vector<16xf32>
        %sign3A_766 = arith.cmpf ogt, %sign3A_763, %sign3A_765 : vector<16xf32>
        %sign3A_767 = arith.select %sign3A_766, %sign3A_762, %sub3A_754 : vector<16xi1>, vector<16xf32>
        %mul3A_768 = arith.mulf %sign3A_767, %sign3A_767 : vector<16xf32>
        %sub3A_769 = arith.subf %gather3A_60, %get3A_679 : vector<16xf32>
        %mul3A_770 = arith.mulf %sub3A_769, %sign3A_767 : vector<16xf32>
        %sub3A_771 = arith.subf %mul3A_768, %mul3A_770 : vector<16xf32>
        %max3A_772 = arith.constant 0.000000e+00 : f32
        %max3A_773 = vector.broadcast %max3A_772 : f32 to vector<16xf32>
        %max3A_774 = arith.maximumf %sub3A_771, %max3A_773 : vector<16xf32>
        %add3A_775 = arith.addf %add3A_752, %max3A_774 : vector<16xf32>
        %add3A_776 = arith.addf %add3A_753, %mul3A_768 : vector<16xf32>
        %sub3A_777 = arith.subf %gather3A_145, %get3A_684 : vector<16xf32>
        %sign3A_778 = tpu.bitcast %sub3A_777 : vector<16xf32> -> vector<16xi32>
        %sign3A_779 = arith.constant -2147483648 : i32
        %sign3A_780 = vector.broadcast %sign3A_779 : i32 to vector<16xi32>
        %sign3A_781 = arith.andi %sign3A_778, %sign3A_780 : vector<16xi32>
        %sign3A_782 = arith.constant 1065353216 : i32
        %sign3A_783 = vector.broadcast %sign3A_782 : i32 to vector<16xi32>
        %sign3A_784 = arith.ori %sign3A_783, %sign3A_781 : vector<16xi32>
        %sign3A_785 = tpu.bitcast %sign3A_784 : vector<16xi32> -> vector<16xf32>
        %sign3A_786 = math.absf %sub3A_777 : vector<16xf32>
        %sign3A_787 = arith.constant 0.000000e+00 : f32
        %sign3A_788 = vector.broadcast %sign3A_787 : f32 to vector<16xf32>
        %sign3A_789 = arith.cmpf ogt, %sign3A_786, %sign3A_788 : vector<16xf32>
        %sign3A_790 = arith.select %sign3A_789, %sign3A_785, %sub3A_777 : vector<16xi1>, vector<16xf32>
        %mul3A_791 = arith.mulf %sign3A_790, %sign3A_790 : vector<16xf32>
        %sub3A_792 = arith.subf %gather3A_65, %get3A_679 : vector<16xf32>
        %mul3A_793 = arith.mulf %sub3A_792, %sign3A_790 : vector<16xf32>
        %sub3A_794 = arith.subf %mul3A_791, %mul3A_793 : vector<16xf32>
        %max3A_795 = arith.constant 0.000000e+00 : f32
        %max3A_796 = vector.broadcast %max3A_795 : f32 to vector<16xf32>
        %max3A_797 = arith.maximumf %sub3A_794, %max3A_796 : vector<16xf32>
        %add3A_798 = arith.addf %add3A_775, %max3A_797 : vector<16xf32>
        %add3A_799 = arith.addf %add3A_776, %mul3A_791 : vector<16xf32>
        %sub3A_800 = arith.subf %gather3A_150, %get3A_684 : vector<16xf32>
        %sign3A_801 = tpu.bitcast %sub3A_800 : vector<16xf32> -> vector<16xi32>
        %sign3A_802 = arith.constant -2147483648 : i32
        %sign3A_803 = vector.broadcast %sign3A_802 : i32 to vector<16xi32>
        %sign3A_804 = arith.andi %sign3A_801, %sign3A_803 : vector<16xi32>
        %sign3A_805 = arith.constant 1065353216 : i32
        %sign3A_806 = vector.broadcast %sign3A_805 : i32 to vector<16xi32>
        %sign3A_807 = arith.ori %sign3A_806, %sign3A_804 : vector<16xi32>
        %sign3A_808 = tpu.bitcast %sign3A_807 : vector<16xi32> -> vector<16xf32>
        %sign3A_809 = math.absf %sub3A_800 : vector<16xf32>
        %sign3A_810 = arith.constant 0.000000e+00 : f32
        %sign3A_811 = vector.broadcast %sign3A_810 : f32 to vector<16xf32>
        %sign3A_812 = arith.cmpf ogt, %sign3A_809, %sign3A_811 : vector<16xf32>
        %sign3A_813 = arith.select %sign3A_812, %sign3A_808, %sub3A_800 : vector<16xi1>, vector<16xf32>
        %mul3A_814 = arith.mulf %sign3A_813, %sign3A_813 : vector<16xf32>
        %sub3A_815 = arith.subf %gather3A_70, %get3A_679 : vector<16xf32>
        %mul3A_816 = arith.mulf %sub3A_815, %sign3A_813 : vector<16xf32>
        %sub3A_817 = arith.subf %mul3A_814, %mul3A_816 : vector<16xf32>
        %max3A_818 = arith.constant 0.000000e+00 : f32
        %max3A_819 = vector.broadcast %max3A_818 : f32 to vector<16xf32>
        %max3A_820 = arith.maximumf %sub3A_817, %max3A_819 : vector<16xf32>
        %add3A_821 = arith.addf %add3A_798, %max3A_820 : vector<16xf32>
        %add3A_822 = arith.addf %add3A_799, %mul3A_814 : vector<16xf32>
        %sub3A_823 = arith.subf %gather3A_155, %get3A_684 : vector<16xf32>
        %sign3A_824 = tpu.bitcast %sub3A_823 : vector<16xf32> -> vector<16xi32>
        %sign3A_825 = arith.constant -2147483648 : i32
        %sign3A_826 = vector.broadcast %sign3A_825 : i32 to vector<16xi32>
        %sign3A_827 = arith.andi %sign3A_824, %sign3A_826 : vector<16xi32>
        %sign3A_828 = arith.constant 1065353216 : i32
        %sign3A_829 = vector.broadcast %sign3A_828 : i32 to vector<16xi32>
        %sign3A_830 = arith.ori %sign3A_829, %sign3A_827 : vector<16xi32>
        %sign3A_831 = tpu.bitcast %sign3A_830 : vector<16xi32> -> vector<16xf32>
        %sign3A_832 = math.absf %sub3A_823 : vector<16xf32>
        %sign3A_833 = arith.constant 0.000000e+00 : f32
        %sign3A_834 = vector.broadcast %sign3A_833 : f32 to vector<16xf32>
        %sign3A_835 = arith.cmpf ogt, %sign3A_832, %sign3A_834 : vector<16xf32>
        %sign3A_836 = arith.select %sign3A_835, %sign3A_831, %sub3A_823 : vector<16xi1>, vector<16xf32>
        %mul3A_837 = arith.mulf %sign3A_836, %sign3A_836 : vector<16xf32>
        %sub3A_838 = arith.subf %gather3A_75, %get3A_679 : vector<16xf32>
        %mul3A_839 = arith.mulf %sub3A_838, %sign3A_836 : vector<16xf32>
        %sub3A_840 = arith.subf %mul3A_837, %mul3A_839 : vector<16xf32>
        %max3A_841 = arith.constant 0.000000e+00 : f32
        %max3A_842 = vector.broadcast %max3A_841 : f32 to vector<16xf32>
        %max3A_843 = arith.maximumf %sub3A_840, %max3A_842 : vector<16xf32>
        %add3A_844 = arith.addf %add3A_821, %max3A_843 : vector<16xf32>
        %add3A_845 = arith.addf %add3A_822, %mul3A_837 : vector<16xf32>
        %sub3A_846 = arith.subf %gather3A_160, %get3A_684 : vector<16xf32>
        %sign3A_847 = tpu.bitcast %sub3A_846 : vector<16xf32> -> vector<16xi32>
        %sign3A_848 = arith.constant -2147483648 : i32
        %sign3A_849 = vector.broadcast %sign3A_848 : i32 to vector<16xi32>
        %sign3A_850 = arith.andi %sign3A_847, %sign3A_849 : vector<16xi32>
        %sign3A_851 = arith.constant 1065353216 : i32
        %sign3A_852 = vector.broadcast %sign3A_851 : i32 to vector<16xi32>
        %sign3A_853 = arith.ori %sign3A_852, %sign3A_850 : vector<16xi32>
        %sign3A_854 = tpu.bitcast %sign3A_853 : vector<16xi32> -> vector<16xf32>
        %sign3A_855 = math.absf %sub3A_846 : vector<16xf32>
        %sign3A_856 = arith.constant 0.000000e+00 : f32
        %sign3A_857 = vector.broadcast %sign3A_856 : f32 to vector<16xf32>
        %sign3A_858 = arith.cmpf ogt, %sign3A_855, %sign3A_857 : vector<16xf32>
        %sign3A_859 = arith.select %sign3A_858, %sign3A_854, %sub3A_846 : vector<16xi1>, vector<16xf32>
        %mul3A_860 = arith.mulf %sign3A_859, %sign3A_859 : vector<16xf32>
        %sub3A_861 = arith.subf %gather3A_80, %get3A_679 : vector<16xf32>
        %mul3A_862 = arith.mulf %sub3A_861, %sign3A_859 : vector<16xf32>
        %sub3A_863 = arith.subf %mul3A_860, %mul3A_862 : vector<16xf32>
        %max3A_864 = arith.constant 0.000000e+00 : f32
        %max3A_865 = vector.broadcast %max3A_864 : f32 to vector<16xf32>
        %max3A_866 = arith.maximumf %sub3A_863, %max3A_865 : vector<16xf32>
        %add3A_867 = arith.addf %add3A_844, %max3A_866 : vector<16xf32>
        %add3A_868 = arith.addf %add3A_845, %mul3A_860 : vector<16xf32>
        %sub3A_869 = arith.subf %gather3A_165, %get3A_684 : vector<16xf32>
        %sign3A_870 = tpu.bitcast %sub3A_869 : vector<16xf32> -> vector<16xi32>
        %sign3A_871 = arith.constant -2147483648 : i32
        %sign3A_872 = vector.broadcast %sign3A_871 : i32 to vector<16xi32>
        %sign3A_873 = arith.andi %sign3A_870, %sign3A_872 : vector<16xi32>
        %sign3A_874 = arith.constant 1065353216 : i32
        %sign3A_875 = vector.broadcast %sign3A_874 : i32 to vector<16xi32>
        %sign3A_876 = arith.ori %sign3A_875, %sign3A_873 : vector<16xi32>
        %sign3A_877 = tpu.bitcast %sign3A_876 : vector<16xi32> -> vector<16xf32>
        %sign3A_878 = math.absf %sub3A_869 : vector<16xf32>
        %sign3A_879 = arith.constant 0.000000e+00 : f32
        %sign3A_880 = vector.broadcast %sign3A_879 : f32 to vector<16xf32>
        %sign3A_881 = arith.cmpf ogt, %sign3A_878, %sign3A_880 : vector<16xf32>
        %sign3A_882 = arith.select %sign3A_881, %sign3A_877, %sub3A_869 : vector<16xi1>, vector<16xf32>
        %mul3A_883 = arith.mulf %sign3A_882, %sign3A_882 : vector<16xf32>
        %sub3A_884 = arith.subf %gather3A_85, %get3A_679 : vector<16xf32>
        %mul3A_885 = arith.mulf %sub3A_884, %sign3A_882 : vector<16xf32>
        %sub3A_886 = arith.subf %mul3A_883, %mul3A_885 : vector<16xf32>
        %max3A_887 = arith.constant 0.000000e+00 : f32
        %max3A_888 = vector.broadcast %max3A_887 : f32 to vector<16xf32>
        %max3A_889 = arith.maximumf %sub3A_886, %max3A_888 : vector<16xf32>
        %add3A_890 = arith.addf %add3A_867, %max3A_889 : vector<16xf32>
        %add3A_891 = arith.addf %add3A_868, %mul3A_883 : vector<16xf32>
        %sub3A_892 = arith.subf %gather3A_170, %get3A_684 : vector<16xf32>
        %sign3A_893 = tpu.bitcast %sub3A_892 : vector<16xf32> -> vector<16xi32>
        %sign3A_894 = arith.constant -2147483648 : i32
        %sign3A_895 = vector.broadcast %sign3A_894 : i32 to vector<16xi32>
        %sign3A_896 = arith.andi %sign3A_893, %sign3A_895 : vector<16xi32>
        %sign3A_897 = arith.constant 1065353216 : i32
        %sign3A_898 = vector.broadcast %sign3A_897 : i32 to vector<16xi32>
        %sign3A_899 = arith.ori %sign3A_898, %sign3A_896 : vector<16xi32>
        %sign3A_900 = tpu.bitcast %sign3A_899 : vector<16xi32> -> vector<16xf32>
        %sign3A_901 = math.absf %sub3A_892 : vector<16xf32>
        %sign3A_902 = arith.constant 0.000000e+00 : f32
        %sign3A_903 = vector.broadcast %sign3A_902 : f32 to vector<16xf32>
        %sign3A_904 = arith.cmpf ogt, %sign3A_901, %sign3A_903 : vector<16xf32>
        %sign3A_905 = arith.select %sign3A_904, %sign3A_900, %sub3A_892 : vector<16xi1>, vector<16xf32>
        %mul3A_906 = arith.mulf %sign3A_905, %sign3A_905 : vector<16xf32>
        %sub3A_907 = arith.subf %gather3A_90, %get3A_679 : vector<16xf32>
        %mul3A_908 = arith.mulf %sub3A_907, %sign3A_905 : vector<16xf32>
        %sub3A_909 = arith.subf %mul3A_906, %mul3A_908 : vector<16xf32>
        %max3A_910 = arith.constant 0.000000e+00 : f32
        %max3A_911 = vector.broadcast %max3A_910 : f32 to vector<16xf32>
        %max3A_912 = arith.maximumf %sub3A_909, %max3A_911 : vector<16xf32>
        %add3A_913 = arith.addf %add3A_890, %max3A_912 : vector<16xf32>
        %add3A_914 = arith.addf %add3A_891, %mul3A_906 : vector<16xf32>
        %sub3A_915 = arith.subf %gather3A_175, %get3A_684 : vector<16xf32>
        %sign3A_916 = tpu.bitcast %sub3A_915 : vector<16xf32> -> vector<16xi32>
        %sign3A_917 = arith.constant -2147483648 : i32
        %sign3A_918 = vector.broadcast %sign3A_917 : i32 to vector<16xi32>
        %sign3A_919 = arith.andi %sign3A_916, %sign3A_918 : vector<16xi32>
        %sign3A_920 = arith.constant 1065353216 : i32
        %sign3A_921 = vector.broadcast %sign3A_920 : i32 to vector<16xi32>
        %sign3A_922 = arith.ori %sign3A_921, %sign3A_919 : vector<16xi32>
        %sign3A_923 = tpu.bitcast %sign3A_922 : vector<16xi32> -> vector<16xf32>
        %sign3A_924 = math.absf %sub3A_915 : vector<16xf32>
        %sign3A_925 = arith.constant 0.000000e+00 : f32
        %sign3A_926 = vector.broadcast %sign3A_925 : f32 to vector<16xf32>
        %sign3A_927 = arith.cmpf ogt, %sign3A_924, %sign3A_926 : vector<16xf32>
        %sign3A_928 = arith.select %sign3A_927, %sign3A_923, %sub3A_915 : vector<16xi1>, vector<16xf32>
        %mul3A_929 = arith.mulf %sign3A_928, %sign3A_928 : vector<16xf32>
        %sub3A_930 = arith.subf %gather3A_95, %get3A_679 : vector<16xf32>
        %mul3A_931 = arith.mulf %sub3A_930, %sign3A_928 : vector<16xf32>
        %sub3A_932 = arith.subf %mul3A_929, %mul3A_931 : vector<16xf32>
        %max3A_933 = arith.constant 0.000000e+00 : f32
        %max3A_934 = vector.broadcast %max3A_933 : f32 to vector<16xf32>
        %max3A_935 = arith.maximumf %sub3A_932, %max3A_934 : vector<16xf32>
        %add3A_936 = arith.addf %add3A_913, %max3A_935 : vector<16xf32>
        %add3A_937 = arith.addf %add3A_914, %mul3A_929 : vector<16xf32>
        %sub3A_938 = arith.subf %gather3A_180, %get3A_684 : vector<16xf32>
        %sign3A_939 = tpu.bitcast %sub3A_938 : vector<16xf32> -> vector<16xi32>
        %sign3A_940 = arith.constant -2147483648 : i32
        %sign3A_941 = vector.broadcast %sign3A_940 : i32 to vector<16xi32>
        %sign3A_942 = arith.andi %sign3A_939, %sign3A_941 : vector<16xi32>
        %sign3A_943 = arith.constant 1065353216 : i32
        %sign3A_944 = vector.broadcast %sign3A_943 : i32 to vector<16xi32>
        %sign3A_945 = arith.ori %sign3A_944, %sign3A_942 : vector<16xi32>
        %sign3A_946 = tpu.bitcast %sign3A_945 : vector<16xi32> -> vector<16xf32>
        %sign3A_947 = math.absf %sub3A_938 : vector<16xf32>
        %sign3A_948 = arith.constant 0.000000e+00 : f32
        %sign3A_949 = vector.broadcast %sign3A_948 : f32 to vector<16xf32>
        %sign3A_950 = arith.cmpf ogt, %sign3A_947, %sign3A_949 : vector<16xf32>
        %sign3A_951 = arith.select %sign3A_950, %sign3A_946, %sub3A_938 : vector<16xi1>, vector<16xf32>
        %mul3A_952 = arith.mulf %sign3A_951, %sign3A_951 : vector<16xf32>
        %sub3A_953 = arith.subf %gather3A_100, %get3A_679 : vector<16xf32>
        %mul3A_954 = arith.mulf %sub3A_953, %sign3A_951 : vector<16xf32>
        %sub3A_955 = arith.subf %mul3A_952, %mul3A_954 : vector<16xf32>
        %max3A_956 = arith.constant 0.000000e+00 : f32
        %max3A_957 = vector.broadcast %max3A_956 : f32 to vector<16xf32>
        %max3A_958 = arith.maximumf %sub3A_955, %max3A_957 : vector<16xf32>
        %add3A_959 = arith.addf %add3A_936, %max3A_958 : vector<16xf32>
        %add3A_960 = arith.addf %add3A_937, %mul3A_952 : vector<16xf32>
        %sub3A_961 = arith.subf %gather3A_185, %get3A_684 : vector<16xf32>
        %sign3A_962 = tpu.bitcast %sub3A_961 : vector<16xf32> -> vector<16xi32>
        %sign3A_963 = arith.constant -2147483648 : i32
        %sign3A_964 = vector.broadcast %sign3A_963 : i32 to vector<16xi32>
        %sign3A_965 = arith.andi %sign3A_962, %sign3A_964 : vector<16xi32>
        %sign3A_966 = arith.constant 1065353216 : i32
        %sign3A_967 = vector.broadcast %sign3A_966 : i32 to vector<16xi32>
        %sign3A_968 = arith.ori %sign3A_967, %sign3A_965 : vector<16xi32>
        %sign3A_969 = tpu.bitcast %sign3A_968 : vector<16xi32> -> vector<16xf32>
        %sign3A_970 = math.absf %sub3A_961 : vector<16xf32>
        %sign3A_971 = arith.constant 0.000000e+00 : f32
        %sign3A_972 = vector.broadcast %sign3A_971 : f32 to vector<16xf32>
        %sign3A_973 = arith.cmpf ogt, %sign3A_970, %sign3A_972 : vector<16xf32>
        %sign3A_974 = arith.select %sign3A_973, %sign3A_969, %sub3A_961 : vector<16xi1>, vector<16xf32>
        %mul3A_975 = arith.mulf %sign3A_974, %sign3A_974 : vector<16xf32>
        %sub3A_976 = arith.subf %gather3A_105, %get3A_679 : vector<16xf32>
        %mul3A_977 = arith.mulf %sub3A_976, %sign3A_974 : vector<16xf32>
        %sub3A_978 = arith.subf %mul3A_975, %mul3A_977 : vector<16xf32>
        %max3A_979 = arith.constant 0.000000e+00 : f32
        %max3A_980 = vector.broadcast %max3A_979 : f32 to vector<16xf32>
        %max3A_981 = arith.maximumf %sub3A_978, %max3A_980 : vector<16xf32>
        %add3A_982 = arith.addf %add3A_959, %max3A_981 : vector<16xf32>
        %add3A_983 = arith.addf %add3A_960, %mul3A_975 : vector<16xf32>
        %sub3A_984 = arith.subf %gather3A_190, %get3A_684 : vector<16xf32>
        %sign3A_985 = tpu.bitcast %sub3A_984 : vector<16xf32> -> vector<16xi32>
        %sign3A_986 = arith.constant -2147483648 : i32
        %sign3A_987 = vector.broadcast %sign3A_986 : i32 to vector<16xi32>
        %sign3A_988 = arith.andi %sign3A_985, %sign3A_987 : vector<16xi32>
        %sign3A_989 = arith.constant 1065353216 : i32
        %sign3A_990 = vector.broadcast %sign3A_989 : i32 to vector<16xi32>
        %sign3A_991 = arith.ori %sign3A_990, %sign3A_988 : vector<16xi32>
        %sign3A_992 = tpu.bitcast %sign3A_991 : vector<16xi32> -> vector<16xf32>
        %sign3A_993 = math.absf %sub3A_984 : vector<16xf32>
        %sign3A_994 = arith.constant 0.000000e+00 : f32
        %sign3A_995 = vector.broadcast %sign3A_994 : f32 to vector<16xf32>
        %sign3A_996 = arith.cmpf ogt, %sign3A_993, %sign3A_995 : vector<16xf32>
        %sign3A_997 = arith.select %sign3A_996, %sign3A_992, %sub3A_984 : vector<16xi1>, vector<16xf32>
        %mul3A_998 = arith.mulf %sign3A_997, %sign3A_997 : vector<16xf32>
        %sub3A_999 = arith.subf %gather3A_110, %get3A_679 : vector<16xf32>
        %mul3A_1000 = arith.mulf %sub3A_999, %sign3A_997 : vector<16xf32>
        %sub3A_1001 = arith.subf %mul3A_998, %mul3A_1000 : vector<16xf32>
        %max3A_1002 = arith.constant 0.000000e+00 : f32
        %max3A_1003 = vector.broadcast %max3A_1002 : f32 to vector<16xf32>
        %max3A_1004 = arith.maximumf %sub3A_1001, %max3A_1003 : vector<16xf32>
        %add3A_1005 = arith.addf %add3A_982, %max3A_1004 : vector<16xf32>
        %add3A_1006 = arith.addf %add3A_983, %mul3A_998 : vector<16xf32>
        %sub3A_1007 = arith.subf %gather3A_195, %get3A_684 : vector<16xf32>
        %sign3A_1008 = tpu.bitcast %sub3A_1007 : vector<16xf32> -> vector<16xi32>
        %sign3A_1009 = arith.constant -2147483648 : i32
        %sign3A_1010 = vector.broadcast %sign3A_1009 : i32 to vector<16xi32>
        %sign3A_1011 = arith.andi %sign3A_1008, %sign3A_1010 : vector<16xi32>
        %sign3A_1012 = arith.constant 1065353216 : i32
        %sign3A_1013 = vector.broadcast %sign3A_1012 : i32 to vector<16xi32>
        %sign3A_1014 = arith.ori %sign3A_1013, %sign3A_1011 : vector<16xi32>
        %sign3A_1015 = tpu.bitcast %sign3A_1014 : vector<16xi32> -> vector<16xf32>
        %sign3A_1016 = math.absf %sub3A_1007 : vector<16xf32>
        %sign3A_1017 = arith.constant 0.000000e+00 : f32
        %sign3A_1018 = vector.broadcast %sign3A_1017 : f32 to vector<16xf32>
        %sign3A_1019 = arith.cmpf ogt, %sign3A_1016, %sign3A_1018 : vector<16xf32>
        %sign3A_1020 = arith.select %sign3A_1019, %sign3A_1015, %sub3A_1007 : vector<16xi1>, vector<16xf32>
        %mul3A_1021 = arith.mulf %sign3A_1020, %sign3A_1020 : vector<16xf32>
        %sub3A_1022 = arith.subf %gather3A_115, %get3A_679 : vector<16xf32>
        %mul3A_1023 = arith.mulf %sub3A_1022, %sign3A_1020 : vector<16xf32>
        %sub3A_1024 = arith.subf %mul3A_1021, %mul3A_1023 : vector<16xf32>
        %max3A_1025 = arith.constant 0.000000e+00 : f32
        %max3A_1026 = vector.broadcast %max3A_1025 : f32 to vector<16xf32>
        %max3A_1027 = arith.maximumf %sub3A_1024, %max3A_1026 : vector<16xf32>
        %add3A_1028 = arith.addf %add3A_1005, %max3A_1027 : vector<16xf32>
        %add3A_1029 = arith.addf %add3A_1006, %mul3A_1021 : vector<16xf32>
        %sub3A_1030 = arith.subf %gather3A_200, %get3A_684 : vector<16xf32>
        %sign3A_1031 = tpu.bitcast %sub3A_1030 : vector<16xf32> -> vector<16xi32>
        %sign3A_1032 = arith.constant -2147483648 : i32
        %sign3A_1033 = vector.broadcast %sign3A_1032 : i32 to vector<16xi32>
        %sign3A_1034 = arith.andi %sign3A_1031, %sign3A_1033 : vector<16xi32>
        %sign3A_1035 = arith.constant 1065353216 : i32
        %sign3A_1036 = vector.broadcast %sign3A_1035 : i32 to vector<16xi32>
        %sign3A_1037 = arith.ori %sign3A_1036, %sign3A_1034 : vector<16xi32>
        %sign3A_1038 = tpu.bitcast %sign3A_1037 : vector<16xi32> -> vector<16xf32>
        %sign3A_1039 = math.absf %sub3A_1030 : vector<16xf32>
        %sign3A_1040 = arith.constant 0.000000e+00 : f32
        %sign3A_1041 = vector.broadcast %sign3A_1040 : f32 to vector<16xf32>
        %sign3A_1042 = arith.cmpf ogt, %sign3A_1039, %sign3A_1041 : vector<16xf32>
        %sign3A_1043 = arith.select %sign3A_1042, %sign3A_1038, %sub3A_1030 : vector<16xi1>, vector<16xf32>
        %mul3A_1044 = arith.mulf %sign3A_1043, %sign3A_1043 : vector<16xf32>
        %sub3A_1045 = arith.subf %gather3A_120, %get3A_679 : vector<16xf32>
        %mul3A_1046 = arith.mulf %sub3A_1045, %sign3A_1043 : vector<16xf32>
        %sub3A_1047 = arith.subf %mul3A_1044, %mul3A_1046 : vector<16xf32>
        %max3A_1048 = arith.constant 0.000000e+00 : f32
        %max3A_1049 = vector.broadcast %max3A_1048 : f32 to vector<16xf32>
        %max3A_1050 = arith.maximumf %sub3A_1047, %max3A_1049 : vector<16xf32>
        %add3A_1051 = arith.addf %add3A_1028, %max3A_1050 : vector<16xf32>
        %add3A_1052 = arith.addf %add3A_1029, %mul3A_1044 : vector<16xf32>
        scf.yield %add3A_1051, %add3A_1052 : vector<16xf32>, vector<16xf32>
      }
      scf.yield %while3A_671#0, %while3A_671#1, %add3A_41 : vector<16xf32>, vector<16xf32>, vector<16xf32>
    }
    %scan3A_6 = arith.constant 3 : i32
    %swap3A = arith.constant 0 : i32
    %swap3A_7 = arith.index_cast %swap3A : i32 to index
    %swap3A_8 = arith.constant 0 : index
    %swap3A_9 = tpu.vector_load %arg7[%swap3A_7, %swap3A_8] {strides = array<i32>} : memref<3x16xf32, #tpu.memory_space<vmem>>, vector<1x16xf32>,
    %swap3A_10 = vector.shape_cast %swap3A_9 : vector<1x16xf32> to vector<16xf32>
    %swap3A_11 = vector.shape_cast %scan3A_5#0 : vector<16xf32> to vector<1x16xf32>
    tpu.vector_store %arg7[%swap3A_7, %swap3A_8], %swap3A_11 {strides = array<i32>} : memref<3x16xf32, #tpu.memory_space<vmem>>, vector<1x16xf32>,
    %swap3A_12 = arith.constant 1 : i32
    %swap3A_13 = arith.index_cast %swap3A_12 : i32 to index
    %swap3A_14 = arith.constant 0 : index
    %swap3A_15 = tpu.vector_load %arg7[%swap3A_13, %swap3A_14] {strides = array<i32>} : memref<3x16xf32, #tpu.memory_space<vmem>>, vector<1x16xf32>,
    %swap3A_16 = vector.shape_cast %swap3A_15 : vector<1x16xf32> to vector<16xf32>
    %swap3A_17 = vector.shape_cast %scan3A_5#1 : vector<16xf32> to vector<1x16xf32>
    tpu.vector_store %arg7[%swap3A_13, %swap3A_14], %swap3A_17 {strides = array<i32>} : memref<3x16xf32, #tpu.memory_space<vmem>>, vector<1x16xf32>,
    %swap3A_18 = arith.constant 2 : i32
    %swap3A_19 = arith.index_cast %swap3A_18 : i32 to index
    %swap3A_20 = arith.constant 0 : index
    %swap3A_21 = tpu.vector_load %arg7[%swap3A_19, %swap3A_20] {strides = array<i32>} : memref<3x16xf32, #tpu.memory_space<vmem>>, vector<1x16xf32>,
    %swap3A_22 = vector.shape_cast %swap3A_21 : vector<1x16xf32> to vector<16xf32>
    %swap3A_23 = vector.shape_cast %scan3A_5#2 : vector<16xf32> to vector<1x16xf32>
    tpu.vector_store %arg7[%swap3A_19, %swap3A_20], %swap3A_23 {strides = array<i32>} : memref<3x16xf32, #tpu.memory_space<vmem>>, vector<1x16xf32>,
    "tpu.region"() ({
      %run_scoped3A = tpu.sem_alloc : memref<!tpu.dma_semaphore, #tpu.memory_space<semaphore_mem>>
      %dma_start3A = arith.constant 0 : i32
      %dma_start3A_24 = arith.constant 0 : i32
      %dma_start3A_25 = tpu.memref_slice %arg4[%add3A, %dma_start3A, %dma_start3A_24] : memref<32x3x16xf32, #tpu.memory_space<hbm>> -> memref<1x3x16xf32, #tpu.memory_space<hbm>>
      %dma_start3A_26 = tpu.memref_squeeze %dma_start3A_25 : memref<1x3x16xf32, #tpu.memory_space<hbm>> -> memref<3x16xf32, #tpu.memory_space<hbm>>
      %dma_start3A_27 = arith.constant 0 : i32
      %dma_start3A_28 = arith.constant 0 : i32
      %dma_start3A_29 = tpu.memref_slice %arg4[%add3A, %dma_start3A_27, %dma_start3A_28] : memref<32x3x16xf32, #tpu.memory_space<hbm>> -> memref<1x3x16xf32, #tpu.memory_space<hbm>>
      %dma_start3A_30 = tpu.memref_squeeze %dma_start3A_29 : memref<1x3x16xf32, #tpu.memory_space<hbm>> -> memref<3x16xf32, #tpu.memory_space<hbm>>
      tpu.enqueue_dma source(%arg7 : memref<3x16xf32, #tpu.memory_space<vmem>>) target(%dma_start3A_30 : memref<3x16xf32, #tpu.memory_space<hbm>>) target_semaphore(%run_scoped3A : memref<!tpu.dma_semaphore, #tpu.memory_space<semaphore_mem>>)
      %dma_wait3A = arith.constant 0 : i32
      %dma_wait3A_31 = arith.constant 0 : i32
      %dma_wait3A_32 = tpu.memref_slice %arg4[%add3A, %dma_wait3A, %dma_wait3A_31] : memref<32x3x16xf32, #tpu.memory_space<hbm>> -> memref<1x3x16xf32, #tpu.memory_space<hbm>>
      %dma_wait3A_33 = tpu.memref_squeeze %dma_wait3A_32 : memref<1x3x16xf32, #tpu.memory_space<hbm>> -> memref<3x16xf32, #tpu.memory_space<hbm>>
      %dma_wait3A_34 = arith.constant 0 : i32
      %dma_wait3A_35 = arith.constant 0 : i32
      %dma_wait3A_36 = tpu.memref_slice %arg4[%add3A, %dma_wait3A_34, %dma_wait3A_35] : memref<32x3x16xf32, #tpu.memory_space<hbm>> -> memref<1x3x16xf32, #tpu.memory_space<hbm>>
      %dma_wait3A_37 = tpu.memref_squeeze %dma_wait3A_36 : memref<1x3x16xf32, #tpu.memory_space<hbm>> -> memref<3x16xf32, #tpu.memory_space<hbm>>
      tpu.wait_dma2 semaphore(%run_scoped3A : memref<!tpu.dma_semaphore, #tpu.memory_space<semaphore_mem>>) src(%arg7 : memref<3x16xf32, #tpu.memory_space<vmem>>) dst(%dma_wait3A_37 : memref<3x16xf32, #tpu.memory_space<hbm>>)
      tpu.yield
    }) : () -> ()
    return
  }
}

module attributes {stable_mosaic.version = 14 : i64} {
  func.func @_tc_band(%arg0: i32, %arg1: i32, %arg2: memref<512x1xf32, #tpu.memory_space<vmem>>, %arg3: memref<512x1xf32, #tpu.memory_space<vmem>>, %arg4: memref<1x512xf32, #tpu.memory_space<vmem>>, %arg5: memref<1x512xf32, #tpu.memory_space<vmem>>, %arg6: memref<4xf32, #tpu.memory_space<smem>>, %arg7: memref<1x512xf32, #tpu.memory_space<vmem>>, %arg8: memref<1x512xf32, #tpu.memory_space<vmem>>, %arg9: memref<4xf32, #tpu.memory_space<smem>>) attributes {dimension_semantics = [#tpu.dimension_semantics<arbitrary>, #tpu.dimension_semantics<arbitrary>], iteration_bounds = array<i64: 5, 8>, scalar_prefetch = 0 : i64, scratch_operands = 3 : i64, tpu.core_type = #tpu.core_type<tc>, window_params = [{transform_indices = @transform_0, window_bounds = array<i64: 512, 1>}, {transform_indices = @transform_1, window_bounds = array<i64: 512, 1>}, {transform_indices = @transform_2, window_bounds = array<i64: 1, 512>}, {transform_indices = @transform_3, window_bounds = array<i64: 1, 512>}, {transform_indices = @transform_4, window_bounds = array<i64: 4>}]} {
    %eq3A = arith.constant 0 : i32
    %eq3A_0 = arith.cmpi eq, %arg0, %eq3A : i32
    %eq3A_1 = arith.constant 0 : i32
    %eq3A_2 = arith.cmpi eq, %arg1, %eq3A_1 : i32
    %and3A = arith.andi %eq3A_0, %eq3A_2 : i1
    %convert_element_type3A = arith.extui %and3A : i1 to i32
    %cond3A = arith.constant 0 : i32
    %cond3A_3 = arith.cmpi ne, %convert_element_type3A, %cond3A : i32
    scf.if %cond3A_3 {
      %broadcast_in_dim3A = arith.constant 0.000000e+00 : f32
      %broadcast_in_dim3A_19 = vector.broadcast %broadcast_in_dim3A : f32 to vector<1x512xf32>
      %swap3A = arith.constant 0 : index
      %swap3A_20 = arith.constant 0 : index
      %swap3A_21 = vector.load %arg7[%swap3A, %swap3A_20] : memref<1x512xf32, #tpu.memory_space<vmem>>, vector<1x512xf32>
      tpu.vector_store %arg7[%swap3A, %swap3A_20], %broadcast_in_dim3A_19 {strides = array<i32>} : memref<1x512xf32, #tpu.memory_space<vmem>>, vector<1x512xf32>,
      %swap3A_22 = arith.constant 0 : index
      %swap3A_23 = arith.constant 0 : index
      %swap3A_24 = vector.load %arg8[%swap3A_22, %swap3A_23] : memref<1x512xf32, #tpu.memory_space<vmem>>, vector<1x512xf32>
      tpu.vector_store %arg8[%swap3A_22, %swap3A_23], %broadcast_in_dim3A_19 {strides = array<i32>} : memref<1x512xf32, #tpu.memory_space<vmem>>, vector<1x512xf32>,
      %swap3A_25 = arith.constant 0.000000e+00 : f32
      %swap3A_26 = arith.constant 0 : index
      %swap3A_27 = memref.load %arg9[%swap3A_26] : memref<4xf32, #tpu.memory_space<smem>>
      memref.store %swap3A_25, %arg9[%swap3A_26] : memref<4xf32, #tpu.memory_space<smem>>
    } else {
    }
    %gt3A = arith.cmpi sgt, %arg1, %arg0 : i32
    %convert_element_type3A_4 = arith.extui %gt3A : i1 to i32
    %cond3A_5 = arith.constant 0 : i32
    %cond3A_6 = arith.cmpi ne, %convert_element_type3A_4, %cond3A_5 : i32
    scf.if %cond3A_6 {
      %get3A = arith.constant 0 : index
      %get3A_19 = arith.constant 0 : index
      %get3A_20 = vector.load %arg2[%get3A, %get3A_19] : memref<512x1xf32, #tpu.memory_space<vmem>>, vector<512x1xf32>
      %get3A_21 = arith.constant 0 : index
      %get3A_22 = arith.constant 0 : index
      %get3A_23 = vector.load %arg3[%get3A_21, %get3A_22] : memref<512x1xf32, #tpu.memory_space<vmem>>, vector<512x1xf32>
      %get3A_24 = arith.constant 0 : index
      %get3A_25 = arith.constant 0 : index
      %get3A_26 = vector.load %arg4[%get3A_24, %get3A_25] : memref<1x512xf32, #tpu.memory_space<vmem>>, vector<1x512xf32>
      %get3A_27 = arith.constant 0 : index
      %get3A_28 = arith.constant 0 : index
      %get3A_29 = vector.load %arg5[%get3A_27, %get3A_28] : memref<1x512xf32, #tpu.memory_space<vmem>>, vector<1x512xf32>
      %sub3A = vector.broadcast %get3A_23 : vector<512x1xf32> to vector<512x512xf32>
      %sub3A_30 = vector.broadcast %get3A_29 : vector<1x512xf32> to vector<512x512xf32>
      %sub3A_31 = arith.subf %sub3A, %sub3A_30 : vector<512x512xf32>
      %sign3A = tpu.bitcast %sub3A_31 : vector<512x512xf32> -> vector<512x512xi32>
      %sign3A_32 = arith.constant -2147483648 : i32
      %sign3A_33 = vector.broadcast %sign3A_32 : i32 to vector<512x512xi32>
      %sign3A_34 = arith.andi %sign3A, %sign3A_33 : vector<512x512xi32>
      %sign3A_35 = arith.constant 1065353216 : i32
      %sign3A_36 = vector.broadcast %sign3A_35 : i32 to vector<512x512xi32>
      %sign3A_37 = arith.ori %sign3A_36, %sign3A_34 : vector<512x512xi32>
      %sign3A_38 = tpu.bitcast %sign3A_37 : vector<512x512xi32> -> vector<512x512xf32>
      %sign3A_39 = math.absf %sub3A_31 : vector<512x512xf32>
      %sign3A_40 = arith.constant 0.000000e+00 : f32
      %sign3A_41 = vector.broadcast %sign3A_40 : f32 to vector<512x512xf32>
      %sign3A_42 = arith.cmpf ogt, %sign3A_39, %sign3A_41 : vector<512x512xf32>
      %sign3A_43 = arith.select %sign3A_42, %sign3A_38, %sub3A_31 : vector<512x512xi1>, vector<512x512xf32>
      %mul3A = arith.mulf %sign3A_43, %sign3A_43 : vector<512x512xf32>
      %sub3A_44 = vector.broadcast %get3A_20 : vector<512x1xf32> to vector<512x512xf32>
      %sub3A_45 = vector.broadcast %get3A_26 : vector<1x512xf32> to vector<512x512xf32>
      %sub3A_46 = arith.subf %sub3A_44, %sub3A_45 : vector<512x512xf32>
      %mul3A_47 = arith.mulf %sub3A_46, %sign3A_43 : vector<512x512xf32>
      %sub3A_48 = arith.subf %mul3A, %mul3A_47 : vector<512x512xf32>
      %max3A = arith.constant 0.000000e+00 : f32
      %max3A_49 = vector.broadcast %max3A : f32 to vector<512x512xf32>
      %max3A_50 = arith.maximumf %sub3A_48, %max3A_49 : vector<512x512xf32>
      %get3A_51 = arith.constant 0 : index
      %get3A_52 = arith.constant 0 : index
      %get3A_53 = vector.load %arg7[%get3A_51, %get3A_52] : memref<1x512xf32, #tpu.memory_space<vmem>>, vector<1x512xf32>
      %reduce_sum3A = arith.constant dense<0.000000e+00> : vector<512xf32>
      %reduce_sum3A_54 = vector.multi_reduction <add>, %max3A_50, %reduce_sum3A [0] : vector<512x512xf32> to vector<512xf32>
      %broadcast_in_dim3A = vector.shape_cast %reduce_sum3A_54 : vector<512xf32> to vector<1x512xf32>
      %add3A = arith.addf %get3A_53, %broadcast_in_dim3A : vector<1x512xf32>
      %swap3A = arith.constant 0 : index
      %swap3A_55 = arith.constant 0 : index
      %swap3A_56 = vector.load %arg7[%swap3A, %swap3A_55] : memref<1x512xf32, #tpu.memory_space<vmem>>, vector<1x512xf32>
      tpu.vector_store %arg7[%swap3A, %swap3A_55], %add3A {strides = array<i32>} : memref<1x512xf32, #tpu.memory_space<vmem>>, vector<1x512xf32>,
      %get3A_57 = arith.constant 0 : index
      %get3A_58 = arith.constant 0 : index
      %get3A_59 = vector.load %arg8[%get3A_57, %get3A_58] : memref<1x512xf32, #tpu.memory_space<vmem>>, vector<1x512xf32>
      %reduce_sum3A_60 = arith.constant dense<0.000000e+00> : vector<512xf32>
      %reduce_sum3A_61 = vector.multi_reduction <add>, %mul3A, %reduce_sum3A_60 [0] : vector<512x512xf32> to vector<512xf32>
      %broadcast_in_dim3A_62 = vector.shape_cast %reduce_sum3A_61 : vector<512xf32> to vector<1x512xf32>
      %add3A_63 = arith.addf %get3A_59, %broadcast_in_dim3A_62 : vector<1x512xf32>
      %swap3A_64 = arith.constant 0 : index
      %swap3A_65 = arith.constant 0 : index
      %swap3A_66 = vector.load %arg8[%swap3A_64, %swap3A_65] : memref<1x512xf32, #tpu.memory_space<vmem>>, vector<1x512xf32>
      tpu.vector_store %arg8[%swap3A_64, %swap3A_65], %add3A_63 {strides = array<i32>} : memref<1x512xf32, #tpu.memory_space<vmem>>, vector<1x512xf32>,
    } else {
    }
    %eq3A_7 = arith.cmpi eq, %arg1, %arg0 : i32
    %convert_element_type3A_8 = arith.extui %eq3A_7 : i1 to i32
    %cond3A_9 = arith.constant 0 : i32
    %cond3A_10 = arith.cmpi ne, %convert_element_type3A_8, %cond3A_9 : i32
    scf.if %cond3A_10 {
      %get3A = arith.constant 0 : index
      %get3A_19 = arith.constant 0 : index
      %get3A_20 = vector.load %arg2[%get3A, %get3A_19] : memref<512x1xf32, #tpu.memory_space<vmem>>, vector<512x1xf32>
      %get3A_21 = arith.constant 0 : index
      %get3A_22 = arith.constant 0 : index
      %get3A_23 = vector.load %arg3[%get3A_21, %get3A_22] : memref<512x1xf32, #tpu.memory_space<vmem>>, vector<512x1xf32>
      %get3A_24 = arith.constant 0 : index
      %get3A_25 = arith.constant 0 : index
      %get3A_26 = vector.load %arg4[%get3A_24, %get3A_25] : memref<1x512xf32, #tpu.memory_space<vmem>>, vector<1x512xf32>
      %get3A_27 = arith.constant 0 : index
      %get3A_28 = arith.constant 0 : index
      %get3A_29 = vector.load %arg5[%get3A_27, %get3A_28] : memref<1x512xf32, #tpu.memory_space<vmem>>, vector<1x512xf32>
      %iota3A = tpu.iota {dimensions = array<i32: 0>} : vector<512x1xi32>
      %iota3A_30 = tpu.iota {dimensions = array<i32: 1>} : vector<1x512xi32>
      %gt3A_31 = vector.broadcast %iota3A_30 : vector<1x512xi32> to vector<512x512xi32>
      %gt3A_32 = vector.broadcast %iota3A : vector<512x1xi32> to vector<512x512xi32>
      %gt3A_33 = arith.cmpi sgt, %gt3A_31, %gt3A_32 : vector<512x512xi32>
      %jit3A = arith.constant 1.000000e+00 : f32
      %jit3A_34 = arith.constant 0.000000e+00 : f32
      %broadcast_in_dim3A = vector.broadcast %jit3A : f32 to vector<512x512xf32>
      %broadcast_in_dim3A_35 = vector.broadcast %jit3A_34 : f32 to vector<512x512xf32>
      %select_n3A = arith.select %gt3A_33, %broadcast_in_dim3A, %broadcast_in_dim3A_35 : vector<512x512xi1>, vector<512x512xf32>
      %sub3A = vector.broadcast %get3A_23 : vector<512x1xf32> to vector<512x512xf32>
      %sub3A_36 = vector.broadcast %get3A_29 : vector<1x512xf32> to vector<512x512xf32>
      %sub3A_37 = arith.subf %sub3A, %sub3A_36 : vector<512x512xf32>
      %sign3A = tpu.bitcast %sub3A_37 : vector<512x512xf32> -> vector<512x512xi32>
      %sign3A_38 = arith.constant -2147483648 : i32
      %sign3A_39 = vector.broadcast %sign3A_38 : i32 to vector<512x512xi32>
      %sign3A_40 = arith.andi %sign3A, %sign3A_39 : vector<512x512xi32>
      %sign3A_41 = arith.constant 1065353216 : i32
      %sign3A_42 = vector.broadcast %sign3A_41 : i32 to vector<512x512xi32>
      %sign3A_43 = arith.ori %sign3A_42, %sign3A_40 : vector<512x512xi32>
      %sign3A_44 = tpu.bitcast %sign3A_43 : vector<512x512xi32> -> vector<512x512xf32>
      %sign3A_45 = math.absf %sub3A_37 : vector<512x512xf32>
      %sign3A_46 = arith.constant 0.000000e+00 : f32
      %sign3A_47 = vector.broadcast %sign3A_46 : f32 to vector<512x512xf32>
      %sign3A_48 = arith.cmpf ogt, %sign3A_45, %sign3A_47 : vector<512x512xf32>
      %sign3A_49 = arith.select %sign3A_48, %sign3A_44, %sub3A_37 : vector<512x512xi1>, vector<512x512xf32>
      %mul3A = arith.mulf %sign3A_49, %select_n3A : vector<512x512xf32>
      %mul3A_50 = arith.mulf %mul3A, %mul3A : vector<512x512xf32>
      %sub3A_51 = vector.broadcast %get3A_20 : vector<512x1xf32> to vector<512x512xf32>
      %sub3A_52 = vector.broadcast %get3A_26 : vector<1x512xf32> to vector<512x512xf32>
      %sub3A_53 = arith.subf %sub3A_51, %sub3A_52 : vector<512x512xf32>
      %mul3A_54 = arith.mulf %sub3A_53, %mul3A : vector<512x512xf32>
      %sub3A_55 = arith.subf %mul3A_50, %mul3A_54 : vector<512x512xf32>
      %max3A = arith.constant 0.000000e+00 : f32
      %max3A_56 = vector.broadcast %max3A : f32 to vector<512x512xf32>
      %max3A_57 = arith.maximumf %sub3A_55, %max3A_56 : vector<512x512xf32>
      %sub3A_58 = arith.subf %get3A_20, %get3A_23 : vector<512x1xf32>
      %get3A_59 = arith.constant 0 : index
      %get3A_60 = arith.constant 0 : index
      %get3A_61 = vector.load %arg7[%get3A_59, %get3A_60] : memref<1x512xf32, #tpu.memory_space<vmem>>, vector<1x512xf32>
      %reduce_sum3A = arith.constant dense<0.000000e+00> : vector<512xf32>
      %reduce_sum3A_62 = vector.multi_reduction <add>, %max3A_57, %reduce_sum3A [0] : vector<512x512xf32> to vector<512xf32>
      %broadcast_in_dim3A_63 = vector.shape_cast %reduce_sum3A_62 : vector<512xf32> to vector<1x512xf32>
      %add3A = arith.addf %get3A_61, %broadcast_in_dim3A_63 : vector<1x512xf32>
      %swap3A = arith.constant 0 : index
      %swap3A_64 = arith.constant 0 : index
      %swap3A_65 = vector.load %arg7[%swap3A, %swap3A_64] : memref<1x512xf32, #tpu.memory_space<vmem>>, vector<1x512xf32>
      tpu.vector_store %arg7[%swap3A, %swap3A_64], %add3A {strides = array<i32>} : memref<1x512xf32, #tpu.memory_space<vmem>>, vector<1x512xf32>,
      %get3A_66 = arith.constant 0 : index
      %get3A_67 = arith.constant 0 : index
      %get3A_68 = vector.load %arg8[%get3A_66, %get3A_67] : memref<1x512xf32, #tpu.memory_space<vmem>>, vector<1x512xf32>
      %reduce_sum3A_69 = arith.constant dense<0.000000e+00> : vector<512xf32>
      %reduce_sum3A_70 = vector.multi_reduction <add>, %mul3A_50, %reduce_sum3A_69 [0] : vector<512x512xf32> to vector<512xf32>
      %broadcast_in_dim3A_71 = vector.shape_cast %reduce_sum3A_70 : vector<512xf32> to vector<1x512xf32>
      %add3A_72 = arith.addf %get3A_68, %broadcast_in_dim3A_71 : vector<1x512xf32>
      %swap3A_73 = arith.constant 0 : index
      %swap3A_74 = arith.constant 0 : index
      %swap3A_75 = vector.load %arg8[%swap3A_73, %swap3A_74] : memref<1x512xf32, #tpu.memory_space<vmem>>, vector<1x512xf32>
      tpu.vector_store %arg8[%swap3A_73, %swap3A_74], %add3A_72 {strides = array<i32>} : memref<1x512xf32, #tpu.memory_space<vmem>>, vector<1x512xf32>,
      %get3A_76 = arith.constant 0 : index
      %get3A_77 = memref.load %arg9[%get3A_76] : memref<4xf32, #tpu.memory_space<smem>>
      %mul3A_78 = arith.mulf %sub3A_58, %sub3A_58 : vector<512x1xf32>
      %reduce_sum3A_79 = vector.shape_cast %mul3A_78 : vector<512x1xf32> to vector<1x512x1xf32>
      %reduce_sum3A_80 = arith.constant dense<0.000000e+00> : vector<1xf32>
      %reduce_sum3A_81 = vector.multi_reduction <add>, %reduce_sum3A_79, %reduce_sum3A_80 [1, 2] : vector<1x512x1xf32> to vector<1xf32>
      %reduce_sum3A_82 = vector.shape_cast %reduce_sum3A_81 : vector<1xf32> to vector<1x1x1xf32>
      %reduce_sum3A_83 = vector.extract %reduce_sum3A_82[0, 0, 0] : f32 from vector<1x1x1xf32>
      %add3A_84 = arith.addf %get3A_77, %reduce_sum3A_83 : f32
      %swap3A_85 = arith.constant 0 : index
      %swap3A_86 = memref.load %arg9[%swap3A_85] : memref<4xf32, #tpu.memory_space<smem>>
      memref.store %add3A_84, %arg9[%swap3A_85] : memref<4xf32, #tpu.memory_space<smem>>
    } else {
    }
    %eq3A_11 = arith.constant 4 : i32
    %eq3A_12 = arith.cmpi eq, %arg0, %eq3A_11 : i32
    %eq3A_13 = arith.constant 7 : i32
    %eq3A_14 = arith.cmpi eq, %arg1, %eq3A_13 : i32
    %and3A_15 = arith.andi %eq3A_12, %eq3A_14 : i1
    %convert_element_type3A_16 = arith.extui %and3A_15 : i1 to i32
    %cond3A_17 = arith.constant 0 : i32
    %cond3A_18 = arith.cmpi ne, %convert_element_type3A_16, %cond3A_17 : i32
    scf.if %cond3A_18 {
      %get3A = arith.constant 0 : index
      %get3A_19 = arith.constant 0 : index
      %get3A_20 = vector.load %arg7[%get3A, %get3A_19] : memref<1x512xf32, #tpu.memory_space<vmem>>, vector<1x512xf32>
      %reduce_sum3A = vector.shape_cast %get3A_20 : vector<1x512xf32> to vector<1x1x512xf32>
      %reduce_sum3A_21 = arith.constant dense<0.000000e+00> : vector<1xf32>
      %reduce_sum3A_22 = vector.multi_reduction <add>, %reduce_sum3A, %reduce_sum3A_21 [1, 2] : vector<1x1x512xf32> to vector<1xf32>
      %reduce_sum3A_23 = vector.shape_cast %reduce_sum3A_22 : vector<1xf32> to vector<1x1x1xf32>
      %reduce_sum3A_24 = vector.extract %reduce_sum3A_23[0, 0, 0] : f32 from vector<1x1x1xf32>
      %swap3A = arith.constant 0 : index
      %swap3A_25 = memref.load %arg6[%swap3A] : memref<4xf32, #tpu.memory_space<smem>>
      memref.store %reduce_sum3A_24, %arg6[%swap3A] : memref<4xf32, #tpu.memory_space<smem>>
      %get3A_26 = arith.constant 0 : index
      %get3A_27 = arith.constant 0 : index
      %get3A_28 = vector.load %arg8[%get3A_26, %get3A_27] : memref<1x512xf32, #tpu.memory_space<vmem>>, vector<1x512xf32>
      %reduce_sum3A_29 = vector.shape_cast %get3A_28 : vector<1x512xf32> to vector<1x1x512xf32>
      %reduce_sum3A_30 = arith.constant dense<0.000000e+00> : vector<1xf32>
      %reduce_sum3A_31 = vector.multi_reduction <add>, %reduce_sum3A_29, %reduce_sum3A_30 [1, 2] : vector<1x1x512xf32> to vector<1xf32>
      %reduce_sum3A_32 = vector.shape_cast %reduce_sum3A_31 : vector<1xf32> to vector<1x1x1xf32>
      %reduce_sum3A_33 = vector.extract %reduce_sum3A_32[0, 0, 0] : f32 from vector<1x1x1xf32>
      %swap3A_34 = arith.constant 1 : index
      %swap3A_35 = memref.load %arg6[%swap3A_34] : memref<4xf32, #tpu.memory_space<smem>>
      memref.store %reduce_sum3A_33, %arg6[%swap3A_34] : memref<4xf32, #tpu.memory_space<smem>>
      %get3A_36 = arith.constant 0 : index
      %get3A_37 = memref.load %arg9[%get3A_36] : memref<4xf32, #tpu.memory_space<smem>>
      %swap3A_38 = arith.constant 2 : index
      %swap3A_39 = memref.load %arg6[%swap3A_38] : memref<4xf32, #tpu.memory_space<smem>>
      memref.store %get3A_37, %arg6[%swap3A_38] : memref<4xf32, #tpu.memory_space<smem>>
    } else {
    }
    return
  }
  func.func @transform_0(%arg0: i32, %arg1: i32) -> (i32, i32) {
    %c0_i32 = arith.constant 0 : i32
    %c0_i32_0 = arith.constant 0 : i32
    return %arg0, %c0_i32 : i32, i32
  }
  func.func @transform_1(%arg0: i32, %arg1: i32) -> (i32, i32) {
    %c0_i32 = arith.constant 0 : i32
    %c0_i32_0 = arith.constant 0 : i32
    return %arg0, %c0_i32 : i32, i32
  }
  func.func @transform_2(%arg0: i32, %arg1: i32) -> (i32, i32) {
    %c0_i32 = arith.constant 0 : i32
    %c0_i32_0 = arith.constant 0 : i32
    return %c0_i32, %arg1 : i32, i32
  }
  func.func @transform_3(%arg0: i32, %arg1: i32) -> (i32, i32) {
    %c0_i32 = arith.constant 0 : i32
    %c0_i32_0 = arith.constant 0 : i32
    return %c0_i32, %arg1 : i32, i32
  }
  func.func @transform_4(%arg0: i32, %arg1: i32) -> i32 {
    %c0_i32 = arith.constant 0 : i32
    %c0_i32_0 = arith.constant 0 : i32
    return %c0_i32 : i32
  }
}

</mosaic_0001>

<sc_bundles>
// kernel: kernel.4.cloned.1.call-start
scs
__scs_entry_jumppad:
0x0: {  	(pc) =	sbr.rel $0x88, $3  }
0x1: {  	(tag) =	ssettag $0x0;
	lr =	simm.s32 $0x1  }
0x2: {  	[smem:$0x3F9F] =	sst lr;
	_ =	strace $0xD0000000  }
0x3: {  	_ = 	snop  }
0x4: {  	_ = 	snop  }
0x5: {  	_ = 	snop  }
0x6: {  	_ = 	snop  }
0x7: {  	_ = 	snop  }
__scs_overlays_trampoline_lowered:
0x8: {  	[smem:$0x3FAE] =	sst s0  }
0x9: {  	[smem:$0x3FAF] =	sst s1  }
0xa: {  	[smem:$0x3FB0] =	sst s2  }
0xb: {  	[smem:$0x3FB1] =	sst s3  }
0xc: {  	[smem:$0x3FB2] =	sst s4  }
0xd: {  	[smem:$0x3FB3] =	sst s5  }
0xe: {  	[smem:$0x3FB4] =	sst s6  }
0xf: {  	[smem:$0x3FB5] =	sst s7  }
0x10: {  	[smem:$0x3FB6] =	sst s8  }
0x11: {  	[smem:$0x3FB7] =	sst s9;
	s0 =	simm.s32 @!p0 $0x0  }
0x12: {  	s1 =	sld [smem:$0x3F9D];
	s0 =	simm.s32 @p0 $0x1  }
0x13: {  	[smem:$0x3FB8] =	sst s0;
	s0 =	simm.s32 @!p1 $0x0  }
0x14: {  	s2 =	sld [smem:$0x3F9C];
	s0 =	simm.s32 @p1 $0x1  }
0x15: {  	[smem:$0x3FB9] =	sst s0;
	s0 =	simm.s32 @!p2 $0x0  }
0x16: {  	s3 =	sld [smem:$0x3FDB];
	s0 =	simm.s32 @p2 $0x1  }
0x17: {  	s4 =	simm.s32 $0x1BF5;
	[smem:$0x3FBB] =	sst s0  }
0x18: {  	s0 =	sld [smem:$0x3F9E];
	_ =	swait.ge [sflag:s4], $0x0  }
0x19: {  	s7 =	sld [smem:$0x3F9F]  }
0x1a: {  	s8 =	sadd.s32 $0xFFFFE003, lr  }
0x1b: {  	s9 =	sadd.s32 $0xFFFFFEF7, lr;
	s5 =	simm.s32 $0xFFFFFFFF;
	p2 =	slt.u32 s8, $0xFFFFF086  }
0x1c: {  	p1 =	slt.u32 s9, $0xF7A;
	s5 =	simm.s32 @!p2 $0x0  }
0x1d: {  	s5 =	simm.s32 @p1 $0x1;
	p0 =	seq.s32 s7, s2  }
0x1e: {  	s7 =	smul.u32 @!p0 $0xF7A, s2;
	p2 =	seq.s32 @!p0 s5, $0x0  }
0x1f: {  	s9 =	smul.u32 $0xF7A, s1;
	s8 =	simm.s32 @!p0 $0x1BF5;
	p2 =	por !p2, p0  }
0x20: {  	[sflag:s8] =	ssyncset.s32 @!p0 $0xFFFFF086;
	s6 =	sadd.s32 @!p0 s3, s7;
	s7 =	simm.s32 @!p0 $0x108  }
0x21: {  	s3 =	sadd.s32 s3, s9;
	s6 =	sadd.s32 @!p0 $0x88, s6;
	s7 =	simm.s32 @p2 $0x1082  }
0x22: {  	[simem:s7], [sflag:s8] =	dma.local @!p0 [hbm:s6], $0xF7A  }
0x23: {  	s9 =	sor.u32 $0xD0000000, s2;
	s6 =	simm.s32 $0x108;
	_ =	swait.ge @!p0 [sflag:s8], $0x0  }
0x24: {  	s3 =	sadd.s32 $0x88, s3;
	s6 =	simm.s32 @!p1 $0x1082;
	[sflag:s4] =	ssyncset.s32 $0xFFFFF086  }
0x25: {  	[simem:s6], [sflag:s4] =	dma.local [hbm:s3], $0xF7A  }
0x26: {  	[smem:$0x3F9F] =	sst s1;
	(tag) =	ssettag s2;
	_ =	strace s9  }
0x27: {  	s1 =	sld [smem:$0x3FAF]  }
0x28: {  	s2 =	sld [smem:$0x3FB0]  }
0x29: {  	s4 =	sld [smem:$0x3FB2]  }
0x2a: {  	p0 =	seq.s32 s5, $0x0;
	s5 =	sld [smem:$0x3FB3]  }
0x2b: {  	s6 =	sld [smem:$0x3FB4]  }
0x2c: {  	s7 =	sld [smem:$0x3FB5]  }
0x2d: {  	s3 =	simm.s32 $0x108;
	s8 =	sld [smem:$0x3FB6]  }
0x2e: {  	s3 =	simm.s32 @!p0 $0x1082;
	s9 =	sld [smem:$0x3FB7]  }
0x2f: {  	lr =	sadd.s32 s0, s3;
	s0 =	sld [smem:$0x3FAE]  }
0x30: {  	s3 =	sld [smem:$0x3FB1]  }
0x31: {  	[smem:$0x3FBA] =	sst s10  }
0x32: {  	s10 =	sld [smem:$0x3FB8];
	_ =	sdelay $0x3  }
0x33: {  	p0 =	seq.s32 s10, $0x1;
	s10 =	sld [smem:$0x3FBA];
	_ =	sdelay $0x3  }
0x34: {  	[smem:$0x3FBA] =	sst s10  }
0x35: {  	s10 =	sld [smem:$0x3FB9];
	_ =	sdelay $0x3  }
0x36: {  	p1 =	seq.s32 s10, $0x1;
	s10 =	sld [smem:$0x3FBA];
	_ =	sdelay $0x3  }
0x37: {  	[smem:$0x3FBA] =	sst s10  }
0x38: {  	s10 =	sld [smem:$0x3FBB]  }
0x39: {  	_ = 	snop;
	(pc) =	sbr.ind lr, $3  }
0x3a: {  	_ = 	snop  }
0x3b: {  	_ = 	snop  }
0x3c: {  	p2 =	seq.s32 s10, $0x1;
	s10 =	sld [smem:$0x3FBA]  }
0x3d: {  	_ =	shalt  }
0x3e: {  	_ =	shalt  }
0x3f: {  	_ =	shalt  }
0x40: {  	_ =	shalt  }
0x41: {  	_ =	shalt  }
0x42: {  	_ =	shalt  }
0x43: {  	_ =	shalt  }
0x44: {  	_ =	shalt  }
0x45: {  	_ =	shalt  }
0x46: {  	_ =	shalt  }
0x47: {  	_ =	shalt  }
0x48: {  	_ =	shalt  }
0x49: {  	_ =	shalt  }
0x4a: {  	_ =	shalt  }
0x4b: {  	_ =	shalt  }
0x4c: {  	_ =	shalt  }
0x4d: {  	_ =	shalt  }
0x4e: {  	_ =	shalt  }
0x4f: {  	_ =	shalt  }
0x50: {  	_ =	shalt  }
0x51: {  	_ =	shalt  }
0x52: {  	_ =	shalt  }
0x53: {  	_ =	shalt  }
0x54: {  	_ =	shalt  }
0x55: {  	_ =	shalt  }
0x56: {  	_ =	shalt  }
0x57: {  	_ =	shalt  }
0x58: {  	_ =	shalt  }
0x59: {  	_ =	shalt  }
0x5a: {  	_ =	shalt  }
0x5b: {  	_ =	shalt  }
0x5c: {  	_ =	shalt  }
0x5d: {  	_ =	shalt  }
0x5e: {  	_ =	shalt  }
0x5f: {  	_ =	shalt  }
0x60: {  	_ =	shalt  }
0x61: {  	_ =	shalt  }
0x62: {  	_ =	shalt  }
0x63: {  	_ =	shalt  }
0x64: {  	_ =	shalt  }
0x65: {  	_ =	shalt  }
0x66: {  	_ =	shalt  }
0x67: {  	_ =	shalt  }
0x68: {  	_ =	shalt  }
0x69: {  	_ =	shalt  }
0x6a: {  	_ =	shalt  }
0x6b: {  	_ =	shalt  }
0x6c: {  	_ =	shalt  }
0x6d: {  	_ =	shalt  }
0x6e: {  	_ =	shalt  }
0x6f: {  	_ =	shalt  }
0x70: {  	_ =	shalt  }
0x71: {  	_ =	shalt  }
0x72: {  	_ =	shalt  }
0x73: {  	_ =	shalt  }
0x74: {  	_ =	shalt  }
0x75: {  	_ =	shalt  }
0x76: {  	_ =	shalt  }
0x77: {  	_ =	shalt  }
0x78: {  	_ =	shalt  }
0x79: {  	_ =	shalt  }
0x7a: {  	_ =	shalt  }
0x7b: {  	_ =	shalt  }
0x7c: {  	_ =	shalt  }
0x7d: {  	_ =	shalt  }
0x7e: {  	_ =	shalt  }
0x7f: {  	_ =	shalt  }
0x80: {  	_ =	shalt  }
0x81: {  	_ =	shalt  }
0x82: {  	_ =	shalt  }
0x83: {  	_ =	shalt  }
0x84: {  	_ =	shalt  }
0x85: {  	_ =	shalt  }
0x86: {  	_ =	shalt  }
0x87: {  	_ =	shalt  }
.Lfunc_end0:
.L_simem_size_0:
called_computation_lowered:
.L_overlay_start_0:
0x88: {  	s2 =	sld [smem:$0x3FD9]  }
0x89: {  	s3 =	sld [smem:$0x3FFE];
	_ =	sdelay $0x1  }
0x8a: {  	s1 =	srdreg.scid  }
0x8b: {  	s0 =	sand.u32 $0x1, s1  }
0x8c: {  	s17 =	sshll.u32 s0, $0xA;
	s2 =	sadd.s32 s3, s2  }
0x8d: {  	s2 =	sadd.s32 s2, s17  }
0x8e: {  	[smem:$0x3FC6] =	sst s2  }
0x8f: {  	_ = 	snop  }
0x90: {  	s2 =	sld [smem:$0x3FC9]  }
0x91: {  	s18 =	sld [smem:$0x3FC8];
	(tm) =	ssettm $0x1  }
0x92: {  	s4 =	sld [smem:$0x3FFB];
	_ =	sdelay $0x3  }
0x93: {  	_ =	strace s4  }
0x94: {  	s4 =	sld [smem:$0x3FFC];
	_ =	sdelay $0x3  }
0x95: {  	_ =	strace s4  }
0x96: {  	s4 =	sld [smem:$0x3FFD];
	_ =	sdelay $0x3  }
0x97: {  	_ =	strace s4  }
0x98: {  	_ =	strace $0x8FFFFFFF  }
0x99: {  	s19 =	sld [smem:$0x3FDB];
	_ =	sdelay $0x1  }
0x9a: {  	s5 =	simm.s32 $_scs_section_size  }
0x9b: {  	s6 =	simm.s32 $_size__tile_overlayer_lowered;
	s7 =	simm.s32 $_tile_overlayer_lowered  }
0x9c: {  	s22 =	simm.s32 $0x1BFF;
	s21 =	sshll.u32 s7, $0x1;
	s4 =	sadd.s32 s5, s19  }
0x9d: {  	s8 =	simm.s32 $0x0;
	s20 =	sshll.u32 s6, $0x1;
	s6 =	sadd.s32 s21, s4  }
0x9e: {  	[timem:s8], [sflag:s22] =	dma.local [hbm:s6], s20  }
0x9f: {  	_ =	swait.ge [sflag:s22], s20  }
0xa0: {  	s5 =	ssub.s32 $0x0, s20;
	[sflag:s22] =	ssyncset.done $0x0  }
0xa1: {  	[sflag:s22] =	ssyncadd.s32 s5;
	_ =	sdelay $0x1  }
0xa2: {  	s23 =	simm.s32 $0x1B8B  }
0xa3: {  	_ =	swait.ge [sflag:s23], $0x1  }
0xa4: {  	[sflag:s23] =	ssyncset.done $0x0  }
0xa5: {  	s25 =	simm.s32 $0x1B8E;
	s24 =	sld [smem:$0x3FFE];
	[sflag:s23] =	ssyncadd.s32 $0xFFFFFFFF  }
0xa6: {  	s26 =	simm.s32 $execute0_lowered;
	[smem:$0x3FD2] =	sst s25  }
0xa7: {  	s6 =	sshll.u32 s26, $0x1;
	_ =	strace $0x80000046;
	[dreg:$0x1] =	wrdreg $0xFFFFFFFF  }
0xa8: {  	s28 =	simm.s32 $_size_execute0_lowered;
	s4 =	sadd.s32 s4, s6;
	[dreg:$0x0] =	wrdreg $0x0  }
0xa9: {  	s6 =	sshll.u32 s28, $0x1;
	[dreg:$0x2] =	wrdreg s4  }
0xaa: {  	[dreg:$0x3] =	wrdreg s6  }
0xab: {  	[dreg:$0x4] =	wrdreg $0xC0  }
0xac: {  	_ =	task [dreg:s8], $0x5FFFF  }
0xad: {  	[dreg:$0x1] =	wrdreg $0xFFFFFFFF  }
0xae: {  	[dreg:$0x0] =	wrdreg $0x60  }
0xaf: {  	[dreg:$0x2] =	wrdreg s2  }
0xb0: {  	[dreg:$0x3] =	wrdreg s18  }
0xb1: {  	[dreg:$0x4] =	wrdreg s24  }
0xb2: {  	[dreg:$0x5] =	wrdreg $0x9  }
0xb3: {  	_ =	task.clear_ibuf [dreg:s8], $0x6FFFF;
	_ =	strace $0x90000046  }
0xb4: {  	s29 =	simm.s32 $0x9;
	_ =	strace $0x80000048  }
0xb5: {  	_ =	swait.ge [sflag:s29], $0x1  }
0xb6: {  	[sflag:s29] =	ssyncadd.s32 $0xFFFFFFFF  }
0xb7: {  	_ =	strace $0x90000048  }
0xb8: {  	_ =	sfence  }
0xb9: {  	s30 =	sld [smem:$0x0];
	_ =	sdelay $0x2  }
0xba: {  	s31 =	sshll.u32 s1, $0xD;
	s1 =	sshrl.u32 s1, $0x2  }
0xbb: {  	s3 =	sand.u32 $0x4000, s31;
	s1 =	sadd.s32 s1, s30  }
0xbc: {  	s0 =	sor.u32 s3, s0;
	s1 =	sshll.u32 s1, $0x11  }
0xbd: {  	s0 =	sor.u32 s1, s0  }
0xbe: {  	s0 =	sadd.s32 $0x8F2B, s0  }
0xbf: {  	[sflag:s0] =	ssyncadd.remote.s32 $0x1  }
0xc0: {  	_ =	sfence.sel $0xFFFF  }
0xc1: {  	[dreg:$0x0] =	wrdreg $0xFFFFFFFF;
	(pc) =	sbr.abs _section_cstart, $3  }
0xc2: {  	[dreg:$0x1] =	wrdreg $0xFFFFFFFF  }
0xc3: {  	_ =	task.clear_ibuf [dreg:s8], $0x2FFFF;
	_ =	strace $0x9FFFFFFF  }
0xc4: {  	(tm) =	ssettm $0x7FFFFFFF  }
0xc5: {  	_ =	shalt  }
tec
execute0_lowered:
.L_overlay_start_1:
0x0: {  	(tag) =	ssettag $0x1  }
0x1: {  	s0 =	rddreg [dreg:$0x0]  }
0x2: {  	s1 =	rddreg [dreg:$0x1];
	v0 =	vimm.f32 $1.000000000e+00  }
0x3: {  	s6 =	rddreg [dreg:$0x2];
	s3 =	simm.s32 $0x0;
	vm2 =	vmmov $0x1f;
	v16 =	vand.u32 $0x7FFFFFFF, v0;
	v0 =	vimm.s32 $0x0  }
0x4: {  	[smem:$0x7FF] =	sst s3;
	v0 =	vsel vm2, $0xFFFFFFFF, v0  }
0x5: {  	s2 =	rddreg [dreg:$0x3];
	vm3 =	vmmov $0x3f;
	_ =	strace $0x80000047;
	[tilespmem:$0x1FF50] =	vst v0;
	v0 =	vimm.s32 $0x0  }
0x6: {  	v0 =	vsel vm3, $0xFFFFFFFF, v0  }
0x7: {  	vm4 =	vmmov $0x7f;
	[tilespmem:$0x1FF60] =	vst v0;
	v0 =	vimm.s32 $0x0  }
0x8: {  	v0 =	vsel vm4, $0xFFFFFFFF, v0  }
0x9: {  	vm5 =	vmmov $0xff;
	[tilespmem:$0x1FF70] =	vst v0;
	v0 =	vimm.s32 $0x0  }
0xa: {  	v0 =	vsel vm5, $0xFFFFFFFF, v0  }
0xb: {  	vm6 =	vmmov $0x1ff;
	[tilespmem:$0x1FF80] =	vst v0;
	v0 =	vimm.s32 $0x0  }
0xc: {  	v0 =	vsel vm6, $0xFFFFFFFF, v0  }
0xd: {  	vm7 =	vmmov $0x3ff;
	[tilespmem:$0x1FF90] =	vst v0;
	v0 =	vimm.s32 $0x0  }
0xe: {  	v2 =	vimm.s32 $0x0;
	v3 =	vimm.s32 $0x1;
	v0 =	vsel vm7, $0xFFFFFFFF, v0  }
0xf: {  	v4 =	vimm.s32 $0x2;
	vm8 =	vmmov $0x7ff;
	[tilespmem:$0x1FFA0] =	vst v0;
	v0 =	vimm.s32 $0x0  }
0x10: {  	v5 =	vimm.s32 $0x3;
	v6 =	vimm.s32 $0x4;
	v0 =	vsel vm8, $0xFFFFFFFF, v0  }
0x11: {  	v7 =	vimm.s32 $0x5;
	vm9 =	vmmov $0xfff;
	[tilespmem:$0x1FFB0] =	vst v0;
	v0 =	vimm.s32 $0x0  }
0x12: {  	s4 =	srdreg.scid;
	v8 =	vimm.s32 $0x6;
	v9 =	vimm.s32 $0x7;
	s12 =	simm.s32 $0x1000;
	s13 =	simm.s32 $0x2000;
	v0 =	vsel vm9, $0xFFFFFFFF, v0  }
0x13: {  	v10 =	vimm.s32 $0x8;
	vm10 =	vmmov $0x1fff;
	s14 =	simm.s32 $0x0;
	s5 =	sand.u32 $0x1, s4;
	s4 =	stileid.u32;
	[tilespmem:$0x1FFC0] =	vst v0;
	v0 =	vimm.s32 $0x0  }
0x14: {  	v11 =	vimm.s32 $0x9;
	v12 =	vimm.s32 $0xA;
	s7 =	ssub.s32 $0x2, s5;
	s9 =	sshll.u32 s4, $0x1;
	s10 =	sshll.u32 s4, $0x7;
	v0 =	vsel vm10, $0xFFFFFFFF, v0  }
.Ltmp0:
0x15: {  	v13 =	vimm.s32 $0xB;
	vm14 =	vmmov $0x3fff;
	s11 =	sshll.u32 s5, $0x6;
	s8 =	sshrl.u32 s7, $0x1;
	[tilespmem:$0x1FFD0] =	vst v0;
	v0 =	vimm.s32 $0x0;
	(pc) =	sbr.rel .LBB2_1-.Ltmp0, $4  }
0x16: {  	v14 =	vimm.s32 $0xC;
	v18 =	vimm.s32 $0xD;
	s9 =	sor.u32 s5, s9;
	s30 =	sor.u32 s11, s10;
	s11 =	simm.s32 $0x1;
	v0 =	vsel vm14, $0xFFFFFFFF, v0  }
0x17: {  	v19 =	vimm.s32 $0xE;
	vm15 =	vmmov $0x7fff;
	s7 =	ssub.s32 s7, s8;
	s5 =	sor.u32 $0xA0, s9;
	s8 =	sadd.s32 $0x2840, s30;
	[tilespmem:$0x1FFE0] =	vst v0;
	v0 =	vimm.s32 $0x0  }
0x18: {  	v20 =	vimm.s32 $0xF;
	v59 =	vlaneseq.u32;
	s31 =	sshll.u32 s9, $0x6;
	s9 =	sadd.s32 $0x9F, s9;
	s8 =	sshrl.u32 s8, $0x2;
	v0 =	vsel vm15, $0xFFFFFFFF, v0  }
0x19: {  	vm11 =	vmmov $0x3;
	vm12 =	vmmov $0x7;
	vm13 =	vmmov $0xf;
	s6 =	sadd.s32 s6, s31;
	s7 =	smax.u32 s7, $0x1;
	s10 =	sor.u32 $0x1000, s8;
	[tilespmem:$0x1FFF0] =	vst v0  }
.LBB2_7:
0x1a: {  	[tilespmem:$0x2000] =	vst v58;
	s14 =	sadd.s32 $0x1, s14  }
0x1b: {  	[tilespmem:$0x2080] =	vst v57;
	p0 =	sne.s32 s14, s7  }
.Ltmp1:
0x1c: {  	[tilespmem:$0x2100] =	vst v60;
	(pc) =	sbr.rel @!p0 .LBB2_8-.Ltmp1, $4  }
0x1d: {  	[hbm4b:s6+s3] =	stream.linear.scatter [tilespmem:s13], [sflag:$0x1], $0x180, $0x38;
	[tilespmem:$0x2200] =	vst v63  }
0x1e: {  	_ =	swait.ge [sflag:s11], $0x180  }
0x1f: {  	[sflag:s11] =	ssyncset.done $0x0  }
0x20: {  	[sflag:s11] =	ssyncadd.s32 $0xFFFFFE80  }
.LBB2_1:
0x21: {  	[tilespmem:s3], [sflag:$0x1] =	stream.linear.gather [hbm4b:s0+s3], $0x1000, $0x38;
	[tilespmem:$0x2200] =	vst v63  }
0x22: {  	_ =	swait.ge [sflag:s11], $0x1000  }
0x23: {  	[sflag:s11] =	ssyncset.done $0x0  }
.Ltmp2:
0x24: {  	[sflag:s11] =	ssyncadd.s32 $0xFFFFF000;
	(pc) =	sbr.rel .LBB2_2-.Ltmp2, $4  }
0x25: {  	[tilespmem:s12], [sflag:$0x1] =	stream.linear.gather [hbm4b:s1+s3], $0x1000, $0x38;
	[tilespmem:$0x2200] =	vst v63  }
0x26: {  	_ =	swait.ge [sflag:s11], $0x1000  }
0x27: {  	s15 =	smov.u32 s10;
	s16 =	smov.u32 s8;
	[sflag:s11] =	ssyncset.done $0x0  }
0x28: {  	v60 =	vimm.f32 $0.0e+00;
	s17 =	smov.u32 s9;
	v57 =	vimm.f32 $0.0e+00;
	v58 =	vimm.f32 $0.0e+00;
	s18 =	simm.s32 $0x0;
	[sflag:s11] =	ssyncadd.s32 $0xFFFFF000  }
.LBB2_5:
0x29: {  	v0 =	vadd.f32 v0, v63;
	_ =	sdelay $0x1  }
0x2a: {  	v0 =	vadd.f32 v0, v57;
	_ =	sdelay $0x1  }
0x2b: {  	v0 =	vadd.f32 v0, v61  }
0x2c: {  	v1 =	vsel vm0, v1, v54  }
0x2d: {  	v5 =	vmul.f32 v1, v1;
	v0 =	vadd.f32 v0, v59;
	_ =	sdelay $0x1  }
0x2e: {  	v57 =	vadd.f32 v0, v5;
	v0 =	vld [tilespmem:$0x1FF50];
	_ =	sdelay $0x4  }
0x2f: {  	vm2 =	vnez.u8 v0;
	v0 =	vld [tilespmem:$0x1FF60];
	_ =	sdelay $0x4  }
0x30: {  	vm3 =	vnez.u8 v0;
	v0 =	vld [tilespmem:$0x1FF70];
	_ =	sdelay $0x4  }
0x31: {  	vm4 =	vnez.u8 v0;
	v0 =	vld [tilespmem:$0x1FF80];
	_ =	sdelay $0x4  }
0x32: {  	vm5 =	vnez.u8 v0;
	v0 =	vld [tilespmem:$0x1FF90];
	_ =	sdelay $0x4  }
0x33: {  	vm6 =	vnez.u8 v0;
	v0 =	vld [tilespmem:$0x1FFA0];
	_ =	sdelay $0x4  }
0x34: {  	vm7 =	vnez.u8 v0;
	v0 =	vld [tilespmem:$0x1FFB0];
	_ =	sdelay $0x4  }
0x35: {  	vm8 =	vnez.u8 v0;
	v0 =	vld [tilespmem:$0x1FFC0];
	_ =	sdelay $0x4  }
0x36: {  	vm9 =	vnez.u8 v0;
	v0 =	vld [tilespmem:$0x1FFD0];
	_ =	sdelay $0x3  }
0x37: {  	v2 =	vadd.f32 v62, v60  }
0x38: {  	v3 =	vmax.f32 v15, $0.0e+00;
	vm10 =	vnez.u8 v0;
	v0 =	vld [tilespmem:$0x1FFE0]  }
0x39: {  	v4 =	vmax.f32 v17, $0.0e+00;
	v2 =	vadd.f32 v2, v3  }
0x3a: {  	v6 =	vimm.s32 $0x4;
	v7 =	vimm.s32 $0x5;
	v3 =	vsub.f32 v51, v52  }
0x3b: {  	v8 =	vimm.s32 $0x6;
	v9 =	vimm.s32 $0x7;
	v2 =	vadd.f32 v2, v56  }
0x3c: {  	v10 =	vimm.s32 $0x8;
	v11 =	vimm.s32 $0x9;
	v1 =	vmul.f32 v1, v3  }
0x3d: {  	v12 =	vimm.s32 $0xA;
	v2 =	vadd.f32 v2, v4;
	vm14 =	vnez.u8 v0;
	v0 =	vld [tilespmem:$0x1FFF0]  }
0x3e: {  	v13 =	vimm.s32 $0xB;
	v14 =	vimm.s32 $0xC;
	v1 =	vsub.f32 v5, v1  }
0x3f: {  	v18 =	vimm.s32 $0xD;
	v19 =	vimm.s32 $0xE;
	v2 =	vadd.f32 v2, v58  }
0x40: {  	v20 =	vimm.s32 $0xF;
	v60 =	vld [tilespmem:$0x1FF30];
	v3 =	vimm.s32 $0x1;
	v1 =	vmax.f32 v1, $0.0e+00  }
0x41: {  	v62 =	vld [tilespmem:$0x1FF40];
	v4 =	vimm.s32 $0x2;
	v59 =	vlaneseq.u32;
	v58 =	vadd.f32 v2, v1  }
0x42: {  	v61 =	vld [tilespmem:$0x1FF20];
	v5 =	vimm.s32 $0x3;
	v2 =	vimm.s32 $0x0;
	vm15 =	vnez.u8 v0  }
.LBB2_6:
0x43: {  	_ =	sdelay $0x1  }
0x44: {  	s18 =	sadd.s32 $0x1, s18  }
0x45: {  	p0 =	sne.s32 s18, $0x3  }
.Ltmp3:
0x46: {  	v0 =	vsub.f32 v61, v62;
	(pc) =	sbr.rel @!p0 .LBB2_7-.Ltmp3, $3  }
0x47: {  	_ = 	snop  }
0x48: {  	v0 =	vmul.f32 v0, v0;
	_ =	sdelay $0x1  }
0x49: {  	s17 =	sadd.s32 $0x20, s17;
	s16 =	sadd.s32 $0x200, s16;
	s15 =	sadd.s32 $0x200, s15;
	v60 =	vadd.f32 v0, v60  }
.LBB2_2:
0x4a: {  	s19 =	sshll.u32 s18, $0x5  }
0x4b: {  	s19 =	sadd.s32 s5, s19  }
0x4c: {  	s20 =	sshll.u32 s19, $0x4  }
0x4d: {  	v61 =	vld [tilespmem:s20+$0x0];
	_ =	sdelay $0x4  }
0x4e: {  	v21 =	vperm.xlane v61, v2;
	v22 =	vperm.xlane v61, v3  }
0x4f: {  	v23 =	vperm.xlane v61, v4;
	v24 =	vperm.xlane v61, v5  }
0x50: {  	v62 =	vld [tilespmem:s20+$0x1000];
	v25 =	vperm.xlane v61, v6;
	v26 =	vperm.xlane v61, v7  }
0x51: {  	v27 =	vperm.xlane v61, v8;
	v28 =	vperm.xlane v61, v9  }
0x52: {  	v29 =	vperm.xlane v61, v10;
	v30 =	vperm.xlane v61, v11  }
0x53: {  	v31 =	vperm.xlane v61, v12;
	v32 =	vperm.xlane v61, v13  }
0x54: {  	v33 =	vperm.xlane v61, v14;
	v34 =	vperm.xlane v61, v18  }
0x55: {  	v35 =	vperm.xlane v61, v19;
	v36 =	vperm.xlane v62, v2  }
0x56: {  	v37 =	vperm.xlane v62, v3;
	v38 =	vperm.xlane v62, v4  }
0x57: {  	v39 =	vperm.xlane v62, v5;
	v40 =	vperm.xlane v62, v6  }
0x58: {  	v41 =	vperm.xlane v62, v7;
	v42 =	vperm.xlane v62, v8  }
0x59: {  	v43 =	vperm.xlane v62, v9;
	v44 =	vperm.xlane v62, v10  }
0x5a: {  	v45 =	vperm.xlane v62, v11;
	v46 =	vperm.xlane v62, v12  }
0x5b: {  	v47 =	vperm.xlane v62, v13;
	v48 =	vperm.xlane v62, v14;
	v0 =	vsub.f32 v36, v62  }
0x5c: {  	v49 =	vperm.xlane v62, v18;
	v15 =	vsub.f32 v37, v62;
	v51 =	vsub.f32 v38, v62  }
0x5d: {  	v50 =	vperm.xlane v62, v19;
	v63 =	vsub.f32 v23, v61;
	v53 =	vsub.f32 v39, v62  }
0x5e: {  	v1 =	vand.u32 $0x80000000, v0;
	vm0 =	vlt.f32 v0, $0.0e+00;
	vm1 =	vgt.f32 v0, $0.0e+00  }
0x5f: {  	v56 =	vsub.f32 v24, v61;
	v1 =	vor.u32 v1, v16;
	vm0 =	vmor vm1, vm0  }
0x60: {  	v0 =	vsel vm0, v1, v0;
	vm0 =	veq.s32 v59, $0x0;
	v1 =	vsub.f32 v21, v61  }
0x61: {  	vm1 =	vgt.f32 v15, $0.0e+00;
	v0 =	vsel vm0, $0x0, v0;
	vm0 =	vlt.f32 v15, $0.0e+00  }
0x62: {  	v17 =	vmul.f32 v0, v0;
	v0 =	vmul.f32 v0, v1;
	v1 =	vand.u32 $0x80000000, v15  }
0x63: {  	v55 =	vand.u32 $0x80000000, v53;
	vm0 =	vmor vm1, vm0;
	v1 =	vor.u32 v1, v16  }
0x64: {  	vm1 =	vgt.f32 v51, $0.0e+00;
	v0 =	vsub.f32 v17, v0;
	v1 =	vsel vm0, v1, v15  }
0x65: {  	v15 =	vsub.f32 v22, v61;
	vm0 =	vlt.f32 v51, $0.0e+00;
	v17 =	vadd.f32 v17, v57  }
0x66: {  	v57 =	vsub.f32 v40, v62;
	v1 =	vsel vm11, $0x0, v1;
	vm0 =	vmor vm1, vm0  }
0x67: {  	v52 =	vmul.f32 v1, v1;
	v1 =	vmul.f32 v1, v15;
	v15 =	vand.u32 $0x80000000, v51  }
0x68: {  	vm1 =	vgt.f32 v53, $0.0e+00;
	v0 =	vmax.f32 v0, $0.0e+00;
	v15 =	vor.u32 v15, v16  }
0x69: {  	v0 =	vadd.f32 v0, v58;
	v1 =	vsub.f32 v52, v1;
	v15 =	vsel vm0, v15, v51  }
0x6a: {  	v58 =	vand.u32 $0x80000000, v57;
	vm0 =	vlt.f32 v53, $0.0e+00;
	v15 =	vsel vm12, $0x0, v15  }
0x6b: {  	vm0 =	vmor vm1, vm0;
	v1 =	vmax.f32 v1, $0.0e+00;
	v54 =	vmul.f32 v15, v15  }
0x6c: {  	v15 =	vmul.f32 v15, v63;
	v0 =	vadd.f32 v1, v0;
	v1 =	vor.u32 v55, v16  }
0x6d: {  	v17 =	vadd.f32 v52, v17;
	vm1 =	vgt.f32 v57, $0.0e+00;
	v1 =	vsel vm0, v1, v53  }
0x6e: {  	v63 =	vsub.f32 v25, v61;
	v15 =	vsub.f32 v54, v15;
	v1 =	vsel vm13, $0x0, v1  }
0x6f: {  	vm0 =	vlt.f32 v57, $0.0e+00;
	v53 =	vmul.f32 v1, v1;
	v1 =	vmul.f32 v1, v56  }
0x70: {  	v17 =	vadd.f32 v54, v17;
	vm0 =	vmor vm1, vm0;
	v15 =	vmax.f32 v15, $0.0e+00  }
0x71: {  	v0 =	vadd.f32 v15, v0;
	v15 =	vor.u32 v58, v16;
	v1 =	vsub.f32 v53, v1  }
0x72: {  	v56 =	vsub.f32 v42, v62;
	v15 =	vsel vm0, v15, v57;
	v57 =	vsub.f32 v41, v62  }
0x73: {  	v17 =	vadd.f32 v53, v17;
	v15 =	vsel vm2, $0x0, v15;
	v1 =	vmax.f32 v1, $0.0e+00  }
0x74: {  	v54 =	vmul.f32 v15, v15;
	v15 =	vmul.f32 v15, v63;
	v58 =	vand.u32 $0x80000000, v57  }
0x75: {  	vm0 =	vlt.f32 v57, $0.0e+00;
	vm1 =	vgt.f32 v57, $0.0e+00;
	v63 =	vsub.f32 v26, v61  }
0x76: {  	v0 =	vadd.f32 v1, v0;
	v1 =	vor.u32 v58, v16;
	vm0 =	vmor vm1, vm0  }
0x77: {  	vm1 =	vgt.f32 v56, $0.0e+00;
	v58 =	vsub.f32 v27, v61;
	v15 =	vsub.f32 v54, v15  }
0x78: {  	v1 =	vsel vm0, v1, v57;
	v57 =	vand.u32 $0x80000000, v56;
	vm0 =	vlt.f32 v56, $0.0e+00  }
0x79: {  	v17 =	vadd.f32 v54, v17;
	v1 =	vsel vm3, $0x0, v1;
	vm0 =	vmor vm1, vm0  }
0x7a: {  	v15 =	vmax.f32 v15, $0.0e+00;
	v53 =	vmul.f32 v1, v1;
	v1 =	vmul.f32 v1, v63  }
0x7b: {  	v63 =	vsub.f32 v43, v62;
	v0 =	vadd.f32 v15, v0;
	v15 =	vor.u32 v57, v16  }
0x7c: {  	v57 =	vsub.f32 v44, v62;
	v1 =	vsub.f32 v53, v1;
	v15 =	vsel vm0, v15, v56  }
0x7d: {  	v55 =	vand.u32 $0x80000000, v63;
	vm0 =	vlt.f32 v63, $0.0e+00;
	vm1 =	vgt.f32 v63, $0.0e+00  }
0x7e: {  	v56 =	vsub.f32 v28, v61;
	v17 =	vadd.f32 v53, v17;
	v15 =	vsel vm4, $0x0, v15  }
0x7f: {  	vm0 =	vmor vm1, vm0;
	v1 =	vmax.f32 v1, $0.0e+00;
	v54 =	vmul.f32 v15, v15  }
0x80: {  	v15 =	vmul.f32 v15, v58;
	v0 =	vadd.f32 v1, v0;
	v1 =	vor.u32 v55, v16  }
0x81: {  	vm1 =	vgt.f32 v57, $0.0e+00;
	v58 =	vand.u32 $0x80000000, v57;
	v1 =	vsel vm0, v1, v63  }
0x82: {  	v15 =	vsub.f32 v54, v15;
	vm0 =	vlt.f32 v57, $0.0e+00;
	v1 =	vsel vm5, $0x0, v1  }
0x83: {  	v63 =	vsub.f32 v29, v61;
	v53 =	vmul.f32 v1, v1;
	v1 =	vmul.f32 v1, v56  }
0x84: {  	v17 =	vadd.f32 v54, v17;
	vm0 =	vmor vm1, vm0;
	v15 =	vmax.f32 v15, $0.0e+00  }
0x85: {  	v0 =	vadd.f32 v15, v0;
	v15 =	vor.u32 v58, v16;
	v1 =	vsub.f32 v53, v1  }
0x86: {  	v56 =	vsub.f32 v46, v62;
	v15 =	vsel vm0, v15, v57;
	v57 =	vsub.f32 v45, v62  }
0x87: {  	v17 =	vadd.f32 v53, v17;
	v15 =	vsel vm6, $0x0, v15;
	v1 =	vmax.f32 v1, $0.0e+00  }
0x88: {  	v54 =	vmul.f32 v15, v15;
	v15 =	vmul.f32 v15, v63;
	v58 =	vand.u32 $0x80000000, v57  }
0x89: {  	vm0 =	vlt.f32 v57, $0.0e+00;
	vm1 =	vgt.f32 v57, $0.0e+00;
	v63 =	vsub.f32 v30, v61  }
0x8a: {  	v0 =	vadd.f32 v1, v0;
	v1 =	vor.u32 v58, v16;
	vm0 =	vmor vm1, vm0  }
0x8b: {  	vm1 =	vgt.f32 v56, $0.0e+00;
	v58 =	vsub.f32 v31, v61;
	v15 =	vsub.f32 v54, v15  }
0x8c: {  	v1 =	vsel vm0, v1, v57;
	v57 =	vand.u32 $0x80000000, v56;
	vm0 =	vlt.f32 v56, $0.0e+00  }
0x8d: {  	v17 =	vadd.f32 v54, v17;
	v1 =	vsel vm7, $0x0, v1;
	v15 =	vmax.f32 v15, $0.0e+00  }
0x8e: {  	v53 =	vmul.f32 v1, v1;
	v1 =	vmul.f32 v1, v63;
	v63 =	vsub.f32 v47, v62  }
0x8f: {  	vm0 =	vmor vm1, vm0;
	v0 =	vadd.f32 v15, v0;
	v15 =	vor.u32 v57, v16  }
0x90: {  	v1 =	vsub.f32 v53, v1;
	v15 =	vsel vm0, v15, v56;
	v57 =	vand.u32 $0x80000000, v63  }
0x91: {  	vm0 =	vlt.f32 v63, $0.0e+00;
	vm1 =	vgt.f32 v63, $0.0e+00;
	v15 =	vsel vm8, $0x0, v15  }
0x92: {  	v51 =	vor.u32 v57, v16;
	vm0 =	vmor vm1, vm0;
	v1 =	vmax.f32 v1, $0.0e+00  }
0x93: {  	v54 =	vmul.f32 v15, v15;
	v15 =	vmul.f32 v15, v58;
	v58 =	vsub.f32 v48, v62  }
0x94: {  	v0 =	vadd.f32 v1, v0;
	v1 =	vadd.f32 v53, v17;
	v17 =	vsel vm0, v51, v63  }
0x95: {  	v63 =	vsub.f32 v32, v61;
	v15 =	vsub.f32 v54, v15;
	v17 =	vsel vm9, $0x0, v17  }
0x96: {  	v56 =	vand.u32 $0x80000000, v58;
	vm0 =	vlt.f32 v58, $0.0e+00;
	vm1 =	vgt.f32 v58, $0.0e+00  }
0x97: {  	v57 =	vor.u32 v56, v16;
	vm0 =	vmor vm1, vm0;
	v1 =	vadd.f32 v54, v1  }
0x98: {  	v15 =	vmax.f32 v15, $0.0e+00;
	v51 =	vsel vm0, v57, v58;
	v58 =	vsub.f32 v49, v62  }
0x99: {  	v0 =	vadd.f32 v15, v0;
	v15 =	vmul.f32 v17, v17;
	v17 =	vmul.f32 v17, v63  }
0x9a: {  	v51 =	vsel vm10, $0x0, v51;
	v63 =	vsub.f32 v33, v61;
	v57 =	vand.u32 $0x80000000, v58  }
0x9b: {  	vm0 =	vlt.f32 v58, $0.0e+00;
	vm1 =	vgt.f32 v58, $0.0e+00;
	v55 =	vmul.f32 v51, v51  }
0x9c: {  	v17 =	vsub.f32 v15, v17;
	v54 =	vor.u32 v57, v16;
	vm0 =	vmor vm1, vm0  }
0x9d: {  	v51 =	vmul.f32 v51, v63;
	v63 =	vsub.f32 v50, v62;
	v52 =	vsel vm0, v54, v58  }
0x9e: {  	v58 =	vsub.f32 v34, v61;
	v17 =	vmax.f32 v17, $0.0e+00;
	v52 =	vsel vm14, $0x0, v52  }
0x9f: {  	vm0 =	vlt.f32 v63, $0.0e+00;
	vm1 =	vgt.f32 v63, $0.0e+00;
	v0 =	vadd.f32 v17, v0  }
0xa0: {  	v17 =	vsub.f32 v55, v51;
	v53 =	vmul.f32 v52, v58;
	v58 =	vand.u32 $0x80000000, v63  }
0xa1: {  	v52 =	vmul.f32 v52, v52;
	vm0 =	vmor vm1, vm0;
	v56 =	vor.u32 v58, v16  }
0xa2: {  	v51 =	vperm.xlane v61, v20;
	v54 =	vsel vm0, v56, v63;
	v63 =	vsub.f32 v35, v61  }
0xa3: {  	v17 =	vmax.f32 v17, $0.0e+00;
	v53 =	vsub.f32 v52, v53;
	v54 =	vsel vm15, $0x0, v54  }
0xa4: {  	v57 =	vmul.f32 v54, v54;
	v54 =	vmul.f32 v54, v63;
	v63 =	vsub.f32 v51, v61  }
0xa5: {  	v1 =	vadd.f32 v15, v1;
	v0 =	vadd.f32 v17, v0  }
0xa6: {  	v15 =	vmax.f32 v53, $0.0e+00;
	v17 =	vsub.f32 v57, v54;
	v63 =	vmul.f32 $0.0e+00, v63  }
0xa7: {  	p0 =	sgt.u32 s19, $0xFE;
	v0 =	vadd.f32 v15, v0  }
.Ltmp4:
0xa8: {  	v1 =	vadd.f32 v55, v1;
	v15 =	vmax.f32 v17, $0.0e+00;
	v17 =	vsub.f32 $0.0e+00, v63;
	(pc) =	sbr.rel @p0 .LBB2_6-.Ltmp4, $4  }
0xa9: {  	v0 =	vadd.f32 v15, v0  }
0xaa: {  	v1 =	vadd.f32 v52, v1;
	v15 =	vmax.f32 v17, $0.0e+00  }
0xab: {  	v58 =	vadd.f32 v0, v15  }
0xac: {  	v57 =	vadd.f32 v57, v1  }
0xad: {  	v56 =	vld [tilespmem:s15+$0x0]  }
0xae: {  	v52 =	vld [tilespmem:s16+$0x0];
	_ =	sdelay $0x3  }
0xaf: {  	v0 =	vsub.f32 v36, v56;
	v1 =	vsub.f32 v37, v56  }
0xb0: {  	[tilespmem:$0x1FF30] =	vst v60;
	v17 =	vsub.f32 v38, v56;
	v60 =	vsub.f32 v21, v52  }
0xb1: {  	[tilespmem:$0x1FF20] =	vst v61;
	v61 =	vsub.f32 v26, v52;
	v19 =	vsub.f32 v33, v52  }
0xb2: {  	v63 =	vsub.f32 v41, v56;
	v2 =	vsub.f32 v44, v56  }
0xb3: {  	v59 =	vsub.f32 v47, v56;
	v3 =	vsub.f32 v43, v56  }
0xb4: {  	v6 =	vsub.f32 v27, v52;
	v9 =	vsub.f32 v23, v52  }
0xb5: {  	v10 =	vsub.f32 v39, v56;
	v12 =	vsub.f32 v22, v52  }
0xb6: {  	v53 =	vperm.xlane v62, v20;
	v13 =	vsub.f32 v40, v56;
	v14 =	vsub.f32 v28, v52  }
0xb7: {  	v18 =	vsub.f32 v24, v52;
	v15 =	vand.u32 $0x80000000, v0;
	vm0 =	vlt.f32 v0, $0.0e+00  }
0xb8: {  	vm1 =	vgt.f32 v0, $0.0e+00;
	vm2 =	vlt.f32 v1, $0.0e+00;
	vm3 =	vgt.f32 v1, $0.0e+00  }
0xb9: {  	v54 =	vand.u32 $0x80000000, v1;
	vm15 =	vgt.f32 v59, $0.0e+00;
	v55 =	vand.u32 $0x80000000, v17  }
0xba: {  	v8 =	vand.u32 $0x80000000, v63;
	vm4 =	vlt.f32 v17, $0.0e+00;
	vm5 =	vgt.f32 v63, $0.0e+00  }
0xbb: {  	vm6 =	vlt.f32 v10, $0.0e+00;
	vm7 =	vlt.f32 v2, $0.0e+00;
	vm8 =	vgt.f32 v17, $0.0e+00  }
0xbc: {  	vm9 =	vgt.f32 v10, $0.0e+00;
	vm10 =	vlt.f32 v3, $0.0e+00;
	v15 =	vor.u32 v15, v16  }
0xbd: {  	vm0 =	vmor vm1, vm0;
	v11 =	vor.u32 v54, v16;
	vm1 =	vmor vm3, vm2  }
0xbe: {  	v54 =	vsub.f32 v53, v56;
	vm3 =	vlt.f32 v63, $0.0e+00;
	v8 =	vor.u32 v8, v16  }
0xbf: {  	[tilespmem:$0x1FF40] =	vst v62;
	v62 =	vor.u32 v55, v16;
	vm4 =	vmor vm8, vm4;
	vm8 =	vgt.f32 v13, $0.0e+00  }
0xc0: {  	v55 =	vand.u32 $0x80000000, v13;
	v0 =	vsel vm0, v15, v0;
	v15 =	vsub.f32 v42, v56  }
0xc1: {  	vm0 =	vgt.f32 v2, $0.0e+00;
	v1 =	vsel vm1, v11, v1;
	v11 =	vsub.f32 v25, v52  }
0xc2: {  	vm3 =	vmor vm5, vm3;
	vm5 =	vgt.f32 v3, $0.0e+00;
	v17 =	vsel vm4, v62, v17  }
0xc3: {  	vm4 =	vlt.f32 v13, $0.0e+00;
	v4 =	vmul.f32 v0, v0;
	vm14 =	vgt.f32 v54, $0.0e+00  }
0xc4: {  	v7 =	vmul.f32 v1, v1;
	v1 =	vmul.f32 v1, v12;
	v12 =	vand.u32 $0x80000000, v2  }
0xc5: {  	v0 =	vmul.f32 v0, v60;
	v60 =	vor.u32 v55, v16;
	v55 =	vand.u32 $0x80000000, v3  }
0xc6: {  	vm0 =	vmor vm0, vm7;
	v8 =	vsel vm3, v8, v63;
	vm5 =	vmor vm5, vm10  }
0xc7: {  	vm3 =	vmor vm9, vm6;
	v63 =	vmul.f32 v17, v17;
	v9 =	vmul.f32 v17, v9  }
0xc8: {  	v5 =	vand.u32 $0x80000000, v15;
	vm1 =	vlt.f32 v15, $0.0e+00;
	vm2 =	vgt.f32 v15, $0.0e+00  }
0xc9: {  	v12 =	vor.u32 v12, v16;
	v61 =	vmul.f32 v8, v61;
	v8 =	vmul.f32 v8, v8  }
0xca: {  	v57 =	vadd.f32 v4, v57;
	v0 =	vsub.f32 v4, v0;
	v4 =	vor.u32 v55, v16  }
0xcb: {  	v55 =	vand.u32 $0x80000000, v10;
	v62 =	vor.u32 v5, v16;
	vm1 =	vmor vm2, vm1  }
0xcc: {  	v1 =	vsub.f32 v7, v1;
	v2 =	vsel vm0, v12, v2;
	v12 =	vsub.f32 v30, v52  }
0xcd: {  	v3 =	vsel vm5, v4, v3;
	v5 =	vor.u32 v55, v16;
	v4 =	vsel vm1, v62, v15  }
0xce: {  	vm1 =	vmor vm8, vm4;
	v62 =	vsub.f32 v45, v56;
	v57 =	vadd.f32 v57, v7  }
0xcf: {  	v0 =	vmax.f32 v0, $0.0e+00;
	v15 =	vmul.f32 v3, v3;
	v55 =	vmul.f32 v4, v4  }
0xd0: {  	v4 =	vmul.f32 v4, v6;
	v3 =	vmul.f32 v3, v14;
	v6 =	vsub.f32 v34, v52  }
0xd1: {  	v1 =	vmax.f32 v1, $0.0e+00;
	v13 =	vsel vm1, v60, v13;
	v7 =	vsub.f32 v63, v9  }
0xd2: {  	v5 =	vsel vm3, v5, v10;
	v9 =	vsub.f32 v46, v56;
	v0 =	vadd.f32 v0, v58  }
0xd3: {  	vm2 =	vlt.f32 v62, $0.0e+00;
	v14 =	vand.u32 $0x80000000, v62;
	vm4 =	vgt.f32 v62, $0.0e+00  }
0xd4: {  	v58 =	vsub.f32 v48, v56;
	v11 =	vmul.f32 v13, v11;
	v10 =	vmul.f32 v5, v5  }
0xd5: {  	v5 =	vmul.f32 v5, v18;
	v4 =	vsub.f32 v55, v4;
	v3 =	vsub.f32 v15, v3  }
0xd6: {  	vm1 =	vmor vm4, vm2;
	v17 =	vadd.f32 v57, v63;
	v57 =	vmul.f32 v13, v13  }
0xd7: {  	v13 =	vor.u32 v14, v16;
	vm0 =	vgt.f32 v9, $0.0e+00;
	v14 =	vsub.f32 v29, v52  }
0xd8: {  	vm2 =	vlt.f32 v59, $0.0e+00;
	v18 =	vand.u32 $0x80000000, v9;
	v63 =	vmul.f32 v2, v2  }
0xd9: {  	v7 =	vmax.f32 v7, $0.0e+00;
	v0 =	vadd.f32 v0, v1;
	v1 =	vsel vm1, v13, v62  }
0xda: {  	v13 =	vand.u32 $0x80000000, v59;
	vm1 =	vlt.f32 v9, $0.0e+00;
	v5 =	vsub.f32 v10, v5  }
0xdb: {  	v62 =	vsub.f32 v31, v52;
	v4 =	vmax.f32 v4, $0.0e+00;
	v3 =	vmax.f32 v3, $0.0e+00  }
0xdc: {  	vm0 =	vmor vm0, vm1;
	v17 =	vadd.f32 v17, v10;
	v2 =	vmul.f32 v2, v14  }
0xdd: {  	v12 =	vmul.f32 v1, v12;
	v14 =	vor.u32 v18, v16;
	v1 =	vmul.f32 v1, v1  }
0xde: {  	vm1 =	vlt.f32 v58, $0.0e+00;
	v0 =	vadd.f32 v0, v7;
	v60 =	vsel vm0, v14, v9  }
0xdf: {  	v5 =	vmax.f32 v5, $0.0e+00;
	vm0 =	vmor vm15, vm2;
	vm2 =	vgt.f32 v58, $0.0e+00  }
0xe0: {  	v2 =	vsub.f32 v63, v2;
	v10 =	vmul.f32 v60, v60;
	v14 =	vadd.f32 v17, v57  }
0xe1: {  	v12 =	vsub.f32 v1, v12;
	v7 =	vmul.f32 v60, v62;
	v60 =	vsub.f32 v57, v11  }
0xe2: {  	v11 =	vsub.f32 v32, v52;
	v17 =	vand.u32 $0x80000000, v58;
	vm1 =	vmor vm2, vm1  }
0xe3: {  	v57 =	vor.u32 v13, v16;
	v0 =	vadd.f32 v0, v5;
	v5 =	vmax.f32 v12, $0.0e+00  }
0xe4: {  	v7 =	vsub.f32 v10, v7;
	v12 =	vsub.f32 v8, v61;
	v9 =	vmax.f32 v60, $0.0e+00  }
0xe5: {  	v2 =	vmax.f32 v2, $0.0e+00;
	v8 =	vadd.f32 v14, v8;
	v0 =	vadd.f32 v0, v9  }
0xe6: {  	v9 =	vsel vm0, v57, v59;
	v60 =	vmax.f32 v7, $0.0e+00;
	v62 =	vmax.f32 v12, $0.0e+00  }
0xe7: {  	v12 =	vor.u32 v17, v16;
	v17 =	vsub.f32 v49, v56;
	v7 =	vsub.f32 v50, v56  }
0xe8: {  	v11 =	vmul.f32 v9, v11;
	v12 =	vsel vm1, v12, v58;
	v0 =	vadd.f32 v0, v62  }
0xe9: {  	v13 =	vmul.f32 v12, v19;
	v57 =	vmul.f32 v12, v12;
	v12 =	vand.u32 $0x80000000, v17  }
0xea: {  	vm0 =	vlt.f32 v17, $0.0e+00;
	vm1 =	vgt.f32 v7, $0.0e+00;
	v0 =	vadd.f32 v0, v4  }
0xeb: {  	vm2 =	vlt.f32 v7, $0.0e+00;
	vm3 =	vgt.f32 v17, $0.0e+00;
	v62 =	vand.u32 $0x80000000, v7  }
0xec: {  	v12 =	vor.u32 v12, v16;
	v0 =	vadd.f32 v0, v3;
	v3 =	vadd.f32 v8, v55  }
0xed: {  	vm0 =	vmor vm3, vm0;
	vm1 =	vmor vm1, vm2;
	v61 =	vsub.f32 v57, v13  }
0xee: {  	v4 =	vor.u32 v62, v16;
	v0 =	vadd.f32 v0, v2;
	v2 =	vadd.f32 v3, v15  }
0xef: {  	s19 =	sadd.s32 $0x1, s17;
	v55 =	vsub.f32 v35, v52;
	v56 =	vmax.f32 v61, $0.0e+00;
	v3 =	vsel vm0, v12, v17  }
0xf0: {  	p0 =	slt.u32 s19, $0xFE;
	v62 =	vadd.f32 v0, v5;
	v0 =	vsel vm1, v4, v7;
	v2 =	vadd.f32 v2, v63  }
.Ltmp5:
0xf1: {  	vm0 =	vlt.f32 v54, $0.0e+00;
	v59 =	vmul.f32 v0, v0;
	v0 =	vmul.f32 v0, v55;
	(pc) =	sbr.rel @!p0 .LBB2_5-.Ltmp5, $4  }
0xf2: {  	v61 =	vmul.f32 v3, v3;
	v3 =	vmul.f32 v3, v6;
	v1 =	vadd.f32 v2, v1  }
0xf3: {  	vm0 =	vmor vm14, vm0;
	v63 =	vmul.f32 v9, v9;
	v2 =	vsub.f32 v59, v0  }
0xf4: {  	v55 =	vand.u32 $0x80000000, v54;
	v17 =	vsub.f32 v61, v3;
	v0 =	vadd.f32 v1, v10  }
0xf5: {  	s20 =	sadd.s32 $0x10, s16;
	s21 =	sadd.s32 $0x10, s15;
	v15 =	vsub.f32 v63, v11;
	v1 =	vor.u32 v55, v16;
	v58 =	vmax.f32 v2, $0.0e+00  }
.LBB2_4:
0xf6: {  	v55 =	vld [tilespmem:s21+$0x0];
	s19 =	sadd.s32 $0x1, s19;
	v2 =	vadd.f32 v62, v60;
	v3 =	vmax.f32 v17, $0.0e+00;
	v4 =	vsub.f32 v51, v52  }
0xf7: {  	v5 =	vmax.f32 v15, $0.0e+00;
	v0 =	vadd.f32 v0, v63;
	v1 =	vsel vm0, v1, v54;
	v52 =	vld [tilespmem:s20+$0x0];
	p0 =	slt.u32 s19, $0xFE  }
0xf8: {  	v2 =	vadd.f32 v2, v5;
	v5 =	vmul.f32 v1, v1;
	v1 =	vmul.f32 v1, v4  }
0xf9: {  	v0 =	vadd.f32 v0, v57  }
0xfa: {  	v2 =	vadd.f32 v2, v56;
	v1 =	vsub.f32 v5, v1  }
0xfb: {  	v0 =	vadd.f32 v0, v61;
	v4 =	vsub.f32 v36, v55  }
0xfc: {  	v6 =	vsub.f32 v37, v55;
	v2 =	vadd.f32 v2, v3;
	v1 =	vmax.f32 v1, $0.0e+00  }
0xfd: {  	v0 =	vadd.f32 v0, v59;
	v3 =	vand.u32 $0x80000000, v4;
	vm0 =	vlt.f32 v4, $0.0e+00  }
0xfe: {  	vm1 =	vgt.f32 v4, $0.0e+00;
	v3 =	vor.u32 v3, v16;
	v2 =	vadd.f32 v2, v58  }
0xff: {  	v7 =	vsub.f32 v38, v55;
	vm2 =	vlt.f32 v6, $0.0e+00;
	v0 =	vadd.f32 v0, v5  }
0x100: {  	vm3 =	vgt.f32 v6, $0.0e+00;
	v5 =	vsub.f32 v21, v52;
	v1 =	vadd.f32 v2, v1  }
0x101: {  	v8 =	vsub.f32 v26, v52;
	v56 =	vsub.f32 v33, v52;
	v2 =	vand.u32 $0x80000000, v6  }
0x102: {  	v9 =	vsub.f32 v41, v55;
	vm0 =	vmor vm1, vm0;
	v2 =	vor.u32 v2, v16  }
0x103: {  	v10 =	vsub.f32 v44, v55;
	v57 =	vsub.f32 v47, v55;
	vm1 =	vmor vm3, vm2  }
0x104: {  	v54 =	vsub.f32 v53, v55;
	v3 =	vsel vm0, v3, v4;
	v4 =	vsub.f32 v42, v55  }
0x105: {  	v11 =	vsub.f32 v43, v55;
	vm15 =	vgt.f32 v57, $0.0e+00;
	vm0 =	vgt.f32 v10, $0.0e+00  }
0x106: {  	v14 =	vsub.f32 v27, v52;
	v12 =	vmul.f32 v3, v3;
	v13 =	vand.u32 $0x80000000, v4  }
0x107: {  	vm14 =	vgt.f32 v54, $0.0e+00;
	v2 =	vsel vm1, v2, v6;
	v6 =	vand.u32 $0x80000000, v7  }
0x108: {  	v17 =	vand.u32 $0x80000000, v9;
	vm5 =	vlt.f32 v9, $0.0e+00;
	v15 =	vmul.f32 v2, v2  }
0x109: {  	vm4 =	vlt.f32 v7, $0.0e+00;
	vm6 =	vgt.f32 v9, $0.0e+00;
	v17 =	vor.u32 v17, v16  }
0x10a: {  	v60 =	vsub.f32 v39, v55;
	v18 =	vsub.f32 v23, v52;
	vm1 =	vlt.f32 v4, $0.0e+00  }
0x10b: {  	v61 =	vsub.f32 v25, v52;
	vm2 =	vgt.f32 v4, $0.0e+00;
	v6 =	vor.u32 v6, v16  }
0x10c: {  	vm7 =	vlt.f32 v10, $0.0e+00;
	v58 =	vsub.f32 v22, v52;
	vm3 =	vlt.f32 v60, $0.0e+00  }
0x10d: {  	v62 =	vsub.f32 v40, v55;
	v63 =	vsub.f32 v28, v52;
	vm8 =	vgt.f32 v7, $0.0e+00  }
0x10e: {  	vm9 =	vgt.f32 v60, $0.0e+00;
	v2 =	vmul.f32 v2, v58;
	v58 =	vand.u32 $0x80000000, v10  }
0x10f: {  	vm8 =	vmor vm8, vm4;
	vm4 =	vgt.f32 v62, $0.0e+00;
	v20 =	vor.u32 v58, v16  }
0x110: {  	v3 =	vmul.f32 v3, v5;
	v5 =	vand.u32 $0x80000000, v62;
	v0 =	vadd.f32 v12, v0  }
0x111: {  	v19 =	vsub.f32 v24, v52;
	vm10 =	vlt.f32 v11, $0.0e+00;
	v5 =	vor.u32 v5, v16  }
0x112: {  	vm5 =	vmor vm6, vm5;
	v3 =	vsub.f32 v12, v3;
	v12 =	vand.u32 $0x80000000, v11  }
0x113: {  	vm6 =	vgt.f32 v11, $0.0e+00;
	vm0 =	vmor vm0, vm7;
	v12 =	vor.u32 v12, v16  }
0x114: {  	v9 =	vsel vm5, v17, v9;
	vm5 =	vmor vm6, vm10;
	v58 =	vand.u32 $0x80000000, v60  }
0x115: {  	v6 =	vsel vm8, v6, v7;
	v7 =	vmul.f32 v9, v8;
	v0 =	vadd.f32 v0, v15  }
0x116: {  	vm3 =	vmor vm9, vm3;
	vm6 =	vlt.f32 v62, $0.0e+00;
	v8 =	vsel vm5, v12, v11  }
0x117: {  	vm1 =	vmor vm2, vm1;
	v3 =	vmax.f32 v3, $0.0e+00;
	v11 =	vor.u32 v13, v16  }
0x118: {  	v12 =	vor.u32 v58, v16;
	v4 =	vsel vm1, v11, v4;
	v59 =	vmul.f32 v8, v8  }
0x119: {  	v13 =	vsub.f32 v45, v55;
	vm1 =	vmor vm4, vm6;
	v11 =	vmul.f32 v4, v4  }
0x11a: {  	v1 =	vadd.f32 v3, v1;
	v2 =	vsub.f32 v15, v2;
	v3 =	vmul.f32 v4, v14  }
0x11b: {  	v58 =	vsub.f32 v34, v52;
	v4 =	vmul.f32 v8, v63;
	vm2 =	vlt.f32 v13, $0.0e+00  }
0x11c: {  	v8 =	vmul.f32 v6, v6;
	v2 =	vmax.f32 v2, $0.0e+00;
	v3 =	vsub.f32 v11, v3  }
0x11d: {  	v15 =	vsub.f32 v48, v55;
	v14 =	vand.u32 $0x80000000, v13;
	vm4 =	vgt.f32 v13, $0.0e+00  }
0x11e: {  	v5 =	vsel vm1, v5, v62;
	vm1 =	vmor vm4, vm2;
	v4 =	vsub.f32 v59, v4  }
0x11f: {  	v6 =	vmul.f32 v6, v18;
	v17 =	vmul.f32 v5, v5;
	v0 =	vadd.f32 v0, v8  }
0x120: {  	v5 =	vmul.f32 v5, v61;
	v14 =	vor.u32 v14, v16;
	v3 =	vmax.f32 v3, $0.0e+00  }
0x121: {  	v10 =	vsel vm0, v20, v10;
	v6 =	vsub.f32 v8, v6;
	v8 =	vsel vm3, v12, v60  }
0x122: {  	v1 =	vadd.f32 v1, v2;
	v2 =	vsel vm1, v14, v13;
	v12 =	vsub.f32 v46, v55  }
0x123: {  	v9 =	vmul.f32 v9, v9;
	v14 =	vsub.f32 v30, v52;
	v13 =	vmul.f32 v8, v8  }
0x124: {  	v18 =	vand.u32 $0x80000000, v57;
	v4 =	vmax.f32 v4, $0.0e+00;
	vm1 =	vgt.f32 v12, $0.0e+00  }
0x125: {  	v20 =	vsub.f32 v29, v52;
	vm0 =	vlt.f32 v57, $0.0e+00;
	vm2 =	vlt.f32 v12, $0.0e+00  }
0x126: {  	v8 =	vmul.f32 v8, v19;
	v19 =	vand.u32 $0x80000000, v12;
	vm1 =	vmor vm1, vm2  }
0x127: {  	v63 =	vmul.f32 v10, v10;
	v10 =	vmul.f32 v10, v20;
	v0 =	vadd.f32 v0, v13  }
0x128: {  	v6 =	vmax.f32 v6, $0.0e+00;
	v14 =	vmul.f32 v2, v14;
	v19 =	vor.u32 v19, v16  }
0x129: {  	v10 =	vsub.f32 v63, v10;
	v2 =	vmul.f32 v2, v2;
	v8 =	vsub.f32 v13, v8  }
0x12a: {  	v1 =	vadd.f32 v1, v6;
	v6 =	vsel vm1, v19, v12;
	v12 =	vsub.f32 v31, v52  }
0x12b: {  	v10 =	vmax.f32 v10, $0.0e+00;
	v8 =	vmax.f32 v8, $0.0e+00;
	v13 =	vmul.f32 v6, v6  }
0x12c: {  	v14 =	vsub.f32 v2, v14;
	v0 =	vadd.f32 v0, v17;
	v6 =	vmul.f32 v6, v12  }
0x12d: {  	v5 =	vsub.f32 v17, v5;
	v17 =	vand.u32 $0x80000000, v15;
	v12 =	vsub.f32 v32, v52  }
0x12e: {  	v1 =	vadd.f32 v1, v8;
	v8 =	vmax.f32 v14, $0.0e+00;
	v6 =	vsub.f32 v13, v6  }
0x12f: {  	v7 =	vsub.f32 v9, v7;
	vm0 =	vmor vm15, vm0;
	vm1 =	vlt.f32 v15, $0.0e+00  }
0x130: {  	v5 =	vmax.f32 v5, $0.0e+00;
	vm2 =	vgt.f32 v15, $0.0e+00;
	v60 =	vmax.f32 v6, $0.0e+00  }
0x131: {  	vm1 =	vmor vm2, vm1;
	v6 =	vmax.f32 v7, $0.0e+00;
	v7 =	vor.u32 v17, v16  }
0x132: {  	v1 =	vadd.f32 v1, v5;
	v5 =	vor.u32 v18, v16;
	v7 =	vsel vm1, v7, v15  }
0x133: {  	v5 =	vsel vm0, v5, v57;
	v15 =	vsub.f32 v49, v55;
	v14 =	vmul.f32 v7, v56  }
0x134: {  	v1 =	vadd.f32 v1, v6;
	v6 =	vsub.f32 v50, v55;
	v57 =	vmul.f32 v7, v7  }
0x135: {  	v7 =	vmul.f32 v5, v12;
	v12 =	vand.u32 $0x80000000, v15;
	vm0 =	vlt.f32 v15, $0.0e+00  }
0x136: {  	v1 =	vadd.f32 v1, v3;
	vm1 =	vgt.f32 v6, $0.0e+00;
	v3 =	vsub.f32 v57, v14  }
0x137: {  	v0 =	vadd.f32 v0, v9;
	vm2 =	vlt.f32 v6, $0.0e+00;
	v9 =	vor.u32 v12, v16  }
0x138: {  	vm3 =	vgt.f32 v15, $0.0e+00;
	v1 =	vadd.f32 v1, v4;
	v56 =	vmax.f32 v3, $0.0e+00  }
0x139: {  	v0 =	vadd.f32 v0, v11;
	v4 =	vsub.f32 v35, v52;
	v3 =	vand.u32 $0x80000000, v6  }
0x13a: {  	vm0 =	vmor vm3, vm0;
	vm1 =	vmor vm1, vm2;
	v1 =	vadd.f32 v1, v10  }
0x13b: {  	v0 =	vadd.f32 v0, v59;
	v9 =	vsel vm0, v9, v15;
	v3 =	vor.u32 v3, v16  }
0x13c: {  	v61 =	vmul.f32 v9, v9;
	v62 =	vadd.f32 v1, v8;
	v1 =	vsel vm1, v3, v6  }
.Ltmp6:
0x13d: {  	v0 =	vadd.f32 v0, v63;
	v59 =	vmul.f32 v1, v1;
	v1 =	vmul.f32 v1, v4;
	(pc) =	sbr.rel @p0 .LBB2_4-.Ltmp6, $4  }
0x13e: {  	v63 =	vmul.f32 v5, v5;
	v3 =	vmul.f32 v9, v58;
	v4 =	vand.u32 $0x80000000, v54  }
0x13f: {  	v0 =	vadd.f32 v0, v2;
	vm0 =	vlt.f32 v54, $0.0e+00;
	v1 =	vsub.f32 v59, v1  }
0x140: {  	v15 =	vsub.f32 v63, v7;
	vm0 =	vmor vm14, vm0;
	v17 =	vsub.f32 v61, v3  }
0x141: {  	s21 =	sadd.s32 $0x10, s21;
	s20 =	sadd.s32 $0x10, s20;
	v0 =	vadd.f32 v0, v13;
	v58 =	vmax.f32 v1, $0.0e+00;
	v1 =	vor.u32 v4, v16  }
.Ltmp7:
0x142: {  	_ = 	snop;
	(pc) =	sbr.rel .LBB2_5-.Ltmp7, $1  }
0x143: {  	_ =	sdelay $0x3  }
.LBB2_8:
0x144: {  	_ =	sfence.sel $0x180000  }
0x145: {  	[bflag:$0x0] =	sbarrier.arrive $0xFFFF  }
0x146: {  	p0 =	sne.s32 s4, $0x0;
	_ =	strace $0x90000047  }
0x147: {  	s0 =	sadd.s32 @!p0 $0x100000, s2;
	[bflag:$0x2] =	sbarrier.arrive $0xFFFF  }
0x148: {  	[sflag:s0] =	ssyncadd.tile.s32 @!p0 $0x1;
	_ =	shalt  }
.Lfunc_end2:
_tile_overlayer_lowered:
.L_overlay_start_2:
0x149: {  	(tag) =	ssettag $0x2  }
0x14a: {  	s0 =	rddreg [dreg:$0x0];
	s2 =	stileid.u32  }
0x14b: {  	s1 =	rddreg [dreg:$0x1];
	p0 =	sne.s32 s2, $0x0  }
0x14c: {  	s3 =	rddreg [dreg:$0x2];
	[bflag:$0x3] =	sbarrier.arrive $0xFFFF;
	s2 =	simm.s32 @!p0 $0x1C01  }
0x14d: {  	[timem:s3], [sflag:s2] =	dma.local @!p0 [hbm:s0], s1  }
0x14e: {  	s0 =	simm.s32 @!p0 $0x1  }
0x14f: {  	_ =	swait.ge @!p0 [sflag:s0], s1  }
0x150: {  	s1 =	ssub.s32 @!p0 $0x0, s1;
	[sflag:s0] =	ssyncset.done @!p0 $0x0  }
0x151: {  	[sflag:s0] =	ssyncadd.s32 @!p0 s1  }
0x152: {  	[bflag:$0x3] =	sbarrier.arrive $0xFFFF  }
0x153: {  	_ =	shalt  }

</sc_bundles>
